<compile_context>
chip_gen: v7x
topology: tpu7x:2x2x1
jax: 0.10.2.dev20260603
libtpu: 0.0.44.dev20260713+nightly
codegen_flags: <defaults>
</compile_context>

<pallas_src>
import jax
import jax.numpy as jnp
from jax.experimental import pallas as pl

_L = 4
_K = 8192
_D = 64
_TM = 512


def _quantize(residual, w):
    cb = w[:-1]
    rf = residual.reshape(-1, _D)
    d = (jnp.sum(rf * rf, axis=1, keepdims=True)
         + jnp.sum(cb * cb, axis=1)[None, :]
         - 2.0 * (rf @ cb.T))
    idx = jnp.argmin(d, axis=-1).reshape(residual.shape[:-1])
    q = jnp.take(w, idx, axis=0)
    return q, idx


def _outputs_kernel(x_ref, agg_ref, zq_ref):
    xo = x_ref[...]
    zq_ref[...] = xo + (agg_ref[...] - xo)


@jax.jit
def kernel(x, cb0, cb1, cb2, cb3):
    B, T, D = x.shape
    N = B * T
    G = N // _TM
    ws = [cb0, cb1, cb2, cb3]

    residual = x
    agg = jnp.zeros_like(x)
    idxs = []
    quants = []
    for l in range(_L):
        q, idx = _quantize(jax.lax.stop_gradient(residual), ws[l])
        residual = residual - q
        agg = agg + q
        quants.append(agg)
        idxs.append(idx)
    csums = [jnp.mean((x - jax.lax.stop_gradient(qq)) ** 2) for qq in quants]

    z_q = pl.pallas_call(
        _outputs_kernel,
        grid=(B,),
        in_specs=[
            pl.BlockSpec((1, T, D), lambda i: (i, 0, 0)),
            pl.BlockSpec((1, T, D), lambda i: (i, 0, 0)),
        ],
        out_specs=pl.BlockSpec((1, T, D), lambda i: (i, 0, 0)),
        out_shape=jax.ShapeDtypeStruct((B, T, D), jnp.float32),
    )(x, quants[-1])
    codes = jnp.concatenate([i[..., None] for i in idxs], axis=-1)
    commit = jnp.mean(jnp.stack(csums))
    return (z_q, commit, codes)

# --- scband reference (transcript-rebuilt; emitter-appended) ---
"""Pipeline reference for scband-rqbottleneck-29222957482313 (READ-ONLY COPY).

The authoritative reference and input builder live on the scoring server;
editing this copy changes nothing except your own understanding.
"""

import jax, jax.numpy as jnp
import numpy as np

NUM_LEVELS = 4
K = 8192
D = 64
B = 8
T = 1024


def setup_inputs(seed: int = 0) -> dict:
    key = jax.random.key(seed)
    ks = jax.random.split(key, NUM_LEVELS + 1)
    x = jax.random.normal(ks[0], (B, T, D), dtype=jnp.float32)
    inp = {"x": x}
    for l in range(NUM_LEVELS):
        # VQEmbedding is nn.Embedding(K+1, D) with padding_idx=K (last row zero)
        w = jax.random.normal(ks[l + 1], (K + 1, D), dtype=jnp.float32)
        w = w.at[K].set(0.0)
        inp[f"cb{l}"] = w
    return inp


def _quantize_level(residual, w):
    # compute_distances: ||r||^2 + ||cb||^2 - 2 r @ cb^T over codebook[:-1]
    cb = w[:-1]  # [K, D]
    rf = residual.reshape(-1, D)
    d = (jnp.sum(rf * rf, axis=1, keepdims=True)
         + jnp.sum(cb * cb, axis=1)[None, :]
         - 2.0 * (rf @ cb.T))
    idx = jnp.argmin(d, axis=-1).reshape(residual.shape[:-1])
    q = jnp.take(w, idx, axis=0)  # embedding gather
    return q, idx


def reference(x, cb0, cb1, cb2, cb3):
    cbs = [cb0, cb1, cb2, cb3]
    residual = x
    agg = jnp.zeros_like(x)
    quants = []
    codes = []
    for l in range(NUM_LEVELS):
        q, c = _quantize_level(jax.lax.stop_gradient(residual), cbs[l])
        residual = residual - q
        agg = agg + q
        quants.append(agg)
        codes.append(c[..., None])
    codes = jnp.concatenate(codes, axis=-1)
    z_q = x + jax.lax.stop_gradient(quants[-1] - x)
    commit = jnp.mean(jnp.stack([
        jnp.mean((x - jax.lax.stop_gradient(q)) ** 2) for q in quants
    ]))
    return (z_q, commit, codes)

if __name__ == "__main__":
    import jax
    _d = setup_inputs()
    print(jax.jit(kernel)(*tuple(_d.values())))

</pallas_src>

<mosaic_0001>
module attributes {stable_mosaic.version = 14 : i64} {
  func.func @_outputs_kernel(%arg0: i32, %arg1: memref<1x1024x64xf32, #tpu.memory_space<vmem>>, %arg2: memref<1x1024x64xf32, #tpu.memory_space<vmem>>, %arg3: memref<1x1024x64xf32, #tpu.memory_space<vmem>>) attributes {dimension_semantics = [#tpu.dimension_semantics<arbitrary>], iteration_bounds = array<i64: 8>, scalar_prefetch = 0 : i64, scratch_operands = 0 : i64, tpu.core_type = #tpu.core_type<tc>, window_params = [{transform_indices = @transform_0, window_bounds = array<i64: 1, 1024, 64>}, {transform_indices = @transform_1, window_bounds = array<i64: 1, 1024, 64>}, {transform_indices = @transform_2, window_bounds = array<i64: 1, 1024, 64>}]} {
    %get3A = arith.constant 0 : index
    %get3A_0 = arith.constant 0 : index
    %get3A_1 = arith.constant 0 : index
    %get3A_2 = vector.load %arg1[%get3A, %get3A_0, %get3A_1] : memref<1x1024x64xf32, #tpu.memory_space<vmem>>, vector<1x1024x64xf32>
    %get3A_3 = arith.constant 0 : index
    %get3A_4 = arith.constant 0 : index
    %get3A_5 = arith.constant 0 : index
    %get3A_6 = vector.load %arg2[%get3A_3, %get3A_4, %get3A_5] : memref<1x1024x64xf32, #tpu.memory_space<vmem>>, vector<1x1024x64xf32>
    %sub3A = arith.subf %get3A_6, %get3A_2 : vector<1x1024x64xf32>
    %add3A = arith.addf %get3A_2, %sub3A : vector<1x1024x64xf32>
    %swap3A = arith.constant 0 : index
    %swap3A_7 = arith.constant 0 : index
    %swap3A_8 = arith.constant 0 : index
    %swap3A_9 = vector.load %arg3[%swap3A, %swap3A_7, %swap3A_8] : memref<1x1024x64xf32, #tpu.memory_space<vmem>>, vector<1x1024x64xf32>
    tpu.vector_store %arg3[%swap3A, %swap3A_7, %swap3A_8], %add3A {strides = array<i32>} : memref<1x1024x64xf32, #tpu.memory_space<vmem>>, vector<1x1024x64xf32>,
    return
  }
  func.func @transform_0(%arg0: i32) -> (i32, i32, i32) {
    %c0_i32 = arith.constant 0 : i32
    %c0_i32_0 = arith.constant 0 : i32
    %c0_i32_1 = arith.constant 0 : i32
    return %arg0, %c0_i32, %c0_i32_0 : i32, i32, i32
  }
  func.func @transform_1(%arg0: i32) -> (i32, i32, i32) {
    %c0_i32 = arith.constant 0 : i32
    %c0_i32_0 = arith.constant 0 : i32
    %c0_i32_1 = arith.constant 0 : i32
    return %arg0, %c0_i32, %c0_i32_0 : i32, i32, i32
  }
  func.func @transform_2(%arg0: i32) -> (i32, i32, i32) {
    %c0_i32 = arith.constant 0 : i32
    %c0_i32_0 = arith.constant 0 : i32
    %c0_i32_1 = arith.constant 0 : i32
    return %arg0, %c0_i32, %c0_i32_0 : i32, i32, i32
  }
}

</mosaic_0001>

<sc_bundles>
// kernel: gather_offload_async_start.1
scs
__scs_entry_jumppad:
0x0: {  	(pc) =	sbr.rel $0x88, $3  }
0x1: {  	(tag) =	ssettag $0x0;
	lr =	simm.s32 $0x1  }
0x2: {  	[smem:$0x3F9C] =	sst lr;
	_ =	strace $0xD0000000  }
0x3: {  	_ = 	snop  }
0x4: {  	_ = 	snop  }
0x5: {  	_ = 	snop  }
0x6: {  	_ = 	snop  }
0x7: {  	_ = 	snop  }
__scs_overlays_trampoline_lowered:
0x8: {  	[smem:$0x3FAB] =	sst s0  }
0x9: {  	[smem:$0x3FAC] =	sst s1  }
0xa: {  	[smem:$0x3FAD] =	sst s2  }
0xb: {  	[smem:$0x3FAE] =	sst s3  }
0xc: {  	[smem:$0x3FAF] =	sst s4  }
0xd: {  	[smem:$0x3FB0] =	sst s5  }
0xe: {  	[smem:$0x3FB1] =	sst s6  }
0xf: {  	[smem:$0x3FB2] =	sst s7  }
0x10: {  	[smem:$0x3FB3] =	sst s8  }
0x11: {  	[smem:$0x3FB4] =	sst s9;
	s0 =	simm.s32 @!p0 $0x0  }
0x12: {  	s1 =	sld [smem:$0x3F9A];
	s0 =	simm.s32 @p0 $0x1  }
0x13: {  	[smem:$0x3FB5] =	sst s0;
	s0 =	simm.s32 @!p1 $0x0  }
0x14: {  	s2 =	sld [smem:$0x3F99];
	s0 =	simm.s32 @p1 $0x1  }
0x15: {  	[smem:$0x3FB6] =	sst s0;
	s0 =	simm.s32 @!p2 $0x0  }
0x16: {  	s3 =	sld [smem:$0x3FDB];
	s0 =	simm.s32 @p2 $0x1  }
0x17: {  	s4 =	simm.s32 $0x1BF5;
	[smem:$0x3FB8] =	sst s0  }
0x18: {  	s0 =	sld [smem:$0x3F9B];
	_ =	swait.ge [sflag:s4], $0x0  }
0x19: {  	s7 =	sld [smem:$0x3F9C]  }
0x1a: {  	s8 =	sadd.s32 $0xFFFFE003, lr  }
0x1b: {  	s9 =	sadd.s32 $0xFFFFFEF7, lr;
	s5 =	simm.s32 $0xFFFFFFFF;
	p2 =	slt.u32 s8, $0xFFFFF086  }
0x1c: {  	p1 =	slt.u32 s9, $0xF7A;
	s5 =	simm.s32 @!p2 $0x0  }
0x1d: {  	s5 =	simm.s32 @p1 $0x1;
	p0 =	seq.s32 s7, s2  }
0x1e: {  	s7 =	smul.u32 @!p0 $0xF7A, s2;
	p2 =	seq.s32 @!p0 s5, $0x0  }
0x1f: {  	s9 =	smul.u32 $0xF7A, s1;
	s8 =	simm.s32 @!p0 $0x1BF5;
	p2 =	por !p2, p0  }
0x20: {  	[sflag:s8] =	ssyncset.s32 @!p0 $0xFFFFF086;
	s6 =	sadd.s32 @!p0 s3, s7;
	s7 =	simm.s32 @!p0 $0x108  }
0x21: {  	s3 =	sadd.s32 s3, s9;
	s6 =	sadd.s32 @!p0 $0x88, s6;
	s7 =	simm.s32 @p2 $0x1082  }
0x22: {  	[simem:s7], [sflag:s8] =	dma.local @!p0 [hbm:s6], $0xF7A  }
0x23: {  	s9 =	sor.u32 $0xD0000000, s2;
	s6 =	simm.s32 $0x108;
	_ =	swait.ge @!p0 [sflag:s8], $0x0  }
0x24: {  	s3 =	sadd.s32 $0x88, s3;
	s6 =	simm.s32 @!p1 $0x1082;
	[sflag:s4] =	ssyncset.s32 $0xFFFFF086  }
0x25: {  	[simem:s6], [sflag:s4] =	dma.local [hbm:s3], $0xF7A  }
0x26: {  	[smem:$0x3F9C] =	sst s1;
	(tag) =	ssettag s2;
	_ =	strace s9  }
0x27: {  	s1 =	sld [smem:$0x3FAC]  }
0x28: {  	s2 =	sld [smem:$0x3FAD]  }
0x29: {  	s4 =	sld [smem:$0x3FAF]  }
0x2a: {  	p0 =	seq.s32 s5, $0x0;
	s5 =	sld [smem:$0x3FB0]  }
0x2b: {  	s6 =	sld [smem:$0x3FB1]  }
0x2c: {  	s7 =	sld [smem:$0x3FB2]  }
0x2d: {  	s3 =	simm.s32 $0x108;
	s8 =	sld [smem:$0x3FB3]  }
0x2e: {  	s3 =	simm.s32 @!p0 $0x1082;
	s9 =	sld [smem:$0x3FB4]  }
0x2f: {  	lr =	sadd.s32 s0, s3;
	s0 =	sld [smem:$0x3FAB]  }
0x30: {  	s3 =	sld [smem:$0x3FAE]  }
0x31: {  	[smem:$0x3FB7] =	sst s10  }
0x32: {  	s10 =	sld [smem:$0x3FB5];
	_ =	sdelay $0x3  }
0x33: {  	p0 =	seq.s32 s10, $0x1;
	s10 =	sld [smem:$0x3FB7];
	_ =	sdelay $0x3  }
0x34: {  	[smem:$0x3FB7] =	sst s10  }
0x35: {  	s10 =	sld [smem:$0x3FB6];
	_ =	sdelay $0x3  }
0x36: {  	p1 =	seq.s32 s10, $0x1;
	s10 =	sld [smem:$0x3FB7];
	_ =	sdelay $0x3  }
0x37: {  	[smem:$0x3FB7] =	sst s10  }
0x38: {  	s10 =	sld [smem:$0x3FB8]  }
0x39: {  	_ = 	snop;
	(pc) =	sbr.ind lr, $3  }
0x3a: {  	_ = 	snop  }
0x3b: {  	_ = 	snop  }
0x3c: {  	p2 =	seq.s32 s10, $0x1;
	s10 =	sld [smem:$0x3FB7]  }
0x3d: {  	_ =	shalt  }
0x3e: {  	_ =	shalt  }
0x3f: {  	_ =	shalt  }
0x40: {  	_ =	shalt  }
0x41: {  	_ =	shalt  }
0x42: {  	_ =	shalt  }
0x43: {  	_ =	shalt  }
0x44: {  	_ =	shalt  }
0x45: {  	_ =	shalt  }
0x46: {  	_ =	shalt  }
0x47: {  	_ =	shalt  }
0x48: {  	_ =	shalt  }
0x49: {  	_ =	shalt  }
0x4a: {  	_ =	shalt  }
0x4b: {  	_ =	shalt  }
0x4c: {  	_ =	shalt  }
0x4d: {  	_ =	shalt  }
0x4e: {  	_ =	shalt  }
0x4f: {  	_ =	shalt  }
0x50: {  	_ =	shalt  }
0x51: {  	_ =	shalt  }
0x52: {  	_ =	shalt  }
0x53: {  	_ =	shalt  }
0x54: {  	_ =	shalt  }
0x55: {  	_ =	shalt  }
0x56: {  	_ =	shalt  }
0x57: {  	_ =	shalt  }
0x58: {  	_ =	shalt  }
0x59: {  	_ =	shalt  }
0x5a: {  	_ =	shalt  }
0x5b: {  	_ =	shalt  }
0x5c: {  	_ =	shalt  }
0x5d: {  	_ =	shalt  }
0x5e: {  	_ =	shalt  }
0x5f: {  	_ =	shalt  }
0x60: {  	_ =	shalt  }
0x61: {  	_ =	shalt  }
0x62: {  	_ =	shalt  }
0x63: {  	_ =	shalt  }
0x64: {  	_ =	shalt  }
0x65: {  	_ =	shalt  }
0x66: {  	_ =	shalt  }
0x67: {  	_ =	shalt  }
0x68: {  	_ =	shalt  }
0x69: {  	_ =	shalt  }
0x6a: {  	_ =	shalt  }
0x6b: {  	_ =	shalt  }
0x6c: {  	_ =	shalt  }
0x6d: {  	_ =	shalt  }
0x6e: {  	_ =	shalt  }
0x6f: {  	_ =	shalt  }
0x70: {  	_ =	shalt  }
0x71: {  	_ =	shalt  }
0x72: {  	_ =	shalt  }
0x73: {  	_ =	shalt  }
0x74: {  	_ =	shalt  }
0x75: {  	_ =	shalt  }
0x76: {  	_ =	shalt  }
0x77: {  	_ =	shalt  }
0x78: {  	_ =	shalt  }
0x79: {  	_ =	shalt  }
0x7a: {  	_ =	shalt  }
0x7b: {  	_ =	shalt  }
0x7c: {  	_ =	shalt  }
0x7d: {  	_ =	shalt  }
0x7e: {  	_ =	shalt  }
0x7f: {  	_ =	shalt  }
0x80: {  	_ =	shalt  }
0x81: {  	_ =	shalt  }
0x82: {  	_ =	shalt  }
0x83: {  	_ =	shalt  }
0x84: {  	_ =	shalt  }
0x85: {  	_ =	shalt  }
0x86: {  	_ =	shalt  }
0x87: {  	_ =	shalt  }
.Lfunc_end0:
.L_simem_size_0:
called_computation.1_lowered:
.L_overlay_start_0:
0x88: {  	s2 =	sld [smem:$0x3FD9]  }
0x89: {  	s3 =	sld [smem:$0x3FFE];
	_ =	sdelay $0x1  }
0x8a: {  	s1 =	srdreg.scid  }
0x8b: {  	s0 =	sand.u32 $0x1, s1  }
0x8c: {  	s14 =	sshll.u32 s0, $0xA;
	s2 =	sadd.s32 s3, s2  }
0x8d: {  	s2 =	sadd.s32 s2, s14  }
0x8e: {  	[smem:$0x3FC3] =	sst s2  }
0x8f: {  	_ = 	snop  }
0x90: {  	s2 =	sld [smem:$0x3FD0];
	_ =	sdelay $0x2  }
0x91: {  	s15 =	simm.s32 $0xA;
	s4 =	simm.s32 $0x10  }
0x92: {  	[smem:s4], [sflag:s15] =	dma.local [hbm:s2], $0x1  }
0x93: {  	_ =	swait.eq [sflag:s15], $0x1  }
0x94: {  	[sflag:s15] =	ssyncset.done $0x0  }
0x95: {  	[sflag:s15] =	ssyncadd.s32 $0xFFFFFFFF  }
0x96: {  	s16 =	sld [smem:$0x12];
	(tm) =	ssettm $0x1  }
0x97: {  	s17 =	sld [smem:$0x3FFB];
	_ =	sdelay $0x3  }
0x98: {  	_ =	strace s17  }
0x99: {  	s3 =	sld [smem:$0x3FFC];
	_ =	sdelay $0x3  }
0x9a: {  	_ =	strace s3  }
0x9b: {  	s3 =	sld [smem:$0x3FFD];
	_ =	sdelay $0x3  }
0x9c: {  	_ =	strace s3  }
0x9d: {  	_ =	strace $0x8FFFFFFF  }
0x9e: {  	s18 =	sld [smem:$0x3FDB];
	_ =	sdelay $0x1  }
0x9f: {  	s19 =	simm.s32 $_scs_section_size  }
0xa0: {  	s5 =	simm.s32 $_size__tile_overlayer_lowered;
	s6 =	simm.s32 $_tile_overlayer_lowered  }
0xa1: {  	s22 =	simm.s32 $0x1BFF;
	s21 =	sshll.u32 s6, $0x1;
	s3 =	sadd.s32 s19, s18  }
0xa2: {  	s7 =	simm.s32 $0x0;
	s20 =	sshll.u32 s5, $0x1;
	s5 =	sadd.s32 s21, s3  }
0xa3: {  	[timem:s7], [sflag:s22] =	dma.local [hbm:s5], s20  }
0xa4: {  	_ =	swait.ge [sflag:s22], s20  }
0xa5: {  	s4 =	ssub.s32 $0x0, s20;
	[sflag:s22] =	ssyncset.done $0x0  }
0xa6: {  	[sflag:s22] =	ssyncadd.s32 s4;
	_ =	sdelay $0x1  }
0xa7: {  	s23 =	simm.s32 $0x1B8B  }
0xa8: {  	_ =	swait.ge [sflag:s23], $0x1  }
0xa9: {  	[sflag:s23] =	ssyncset.done $0x0  }
0xaa: {  	s25 =	simm.s32 $0x1B8E;
	s24 =	sld [smem:$0x3FFE];
	[sflag:s23] =	ssyncadd.s32 $0xFFFFFFFF  }
0xab: {  	s26 =	simm.s32 $execute0_lowered;
	[smem:$0x3FD2] =	sst s25  }
0xac: {  	s5 =	sshll.u32 s26, $0x1;
	_ =	strace $0x80000049;
	[dreg:$0x1] =	wrdreg $0xFFFFFFFF  }
0xad: {  	s28 =	simm.s32 $_size_execute0_lowered;
	s3 =	sadd.s32 s3, s5;
	[dreg:$0x0] =	wrdreg $0x0  }
0xae: {  	s5 =	sshll.u32 s28, $0x1;
	[dreg:$0x2] =	wrdreg s3  }
0xaf: {  	[dreg:$0x3] =	wrdreg s5  }
0xb0: {  	[dreg:$0x4] =	wrdreg $0xC0  }
0xb1: {  	_ =	task [dreg:s7], $0x5FFFF  }
0xb2: {  	[dreg:$0x1] =	wrdreg $0xFFFFFFFF  }
0xb3: {  	[dreg:$0x0] =	wrdreg $0x60  }
0xb4: {  	[dreg:$0x2] =	wrdreg s24  }
0xb5: {  	[dreg:$0x3] =	wrdreg s16  }
0xb6: {  	[dreg:$0x4] =	wrdreg $0x9  }
0xb7: {  	_ =	task.clear_ibuf [dreg:s7], $0x5FFFF;
	_ =	strace $0x90000049  }
0xb8: {  	s29 =	simm.s32 $0x9;
	_ =	strace $0x8000004B  }
0xb9: {  	_ =	swait.ge [sflag:s29], $0x1  }
0xba: {  	[sflag:s29] =	ssyncadd.s32 $0xFFFFFFFF  }
0xbb: {  	_ =	strace $0x9000004B  }
0xbc: {  	_ =	sfence  }
0xbd: {  	s30 =	sld [smem:$0x0];
	_ =	sdelay $0x2  }
0xbe: {  	s31 =	sshll.u32 s1, $0xD;
	s1 =	sshrl.u32 s1, $0x2  }
0xbf: {  	s3 =	sand.u32 $0x4000, s31;
	s1 =	sadd.s32 s1, s30  }
0xc0: {  	s0 =	sor.u32 s3, s0;
	s1 =	sshll.u32 s1, $0x11  }
0xc1: {  	s0 =	sor.u32 s1, s0  }
0xc2: {  	s0 =	sadd.s32 $0x8F2B, s0  }
0xc3: {  	[sflag:s0] =	ssyncadd.remote.s32 $0x1  }
0xc4: {  	_ =	sfence.sel $0xFFFF  }
0xc5: {  	[dreg:$0x0] =	wrdreg $0xFFFFFFFF;
	(pc) =	sbr.abs _section_cstart, $3  }
0xc6: {  	[dreg:$0x1] =	wrdreg $0xFFFFFFFF  }
0xc7: {  	_ =	task.clear_ibuf [dreg:s7], $0x2FFFF;
	_ =	strace $0x9FFFFFFF  }
0xc8: {  	(tm) =	ssettm $0x7FFFFFFF  }
0xc9: {  	_ =	shalt  }
tec
execute0_lowered:
.L_overlay_start_1:
0x0: {  	(tag) =	ssettag $0x1  }
0x1: {  	s7 =	rddreg [dreg:$0x0]  }
0x2: {  	s2 =	rddreg [dreg:$0x1]  }
0x3: {  	s0 =	rddreg [dreg:$0x2]  }
0x4: {  	s1 =	srdreg.scid;
	_ =	strace $0x8000004A;
	s4 =	simm.s32 $0x1  }
0x5: {  	s9 =	simm.s32 $0x3;
	s12 =	simm.s32 $0x0;
	s5 =	sshll.u32 s1, $0x4  }
.Ltmp0:
0x6: {  	s1 =	stileid.u32;
	s5 =	sand.u32 $0x10, s5;
	(pc) =	sbr.rel .LBB2_1-.Ltmp0, $4  }
0x7: {  	s10 =	simm.s32 $0x0;
	s3 =	sadd.s32 $0x60600, s7;
	s6 =	sor.u32 s1, s5  }
0x8: {  	[sflag:s4] =	ssyncpa.u1 $0x0;
	s5 =	simm.s32 $0x2;
	s6 =	sshll.u32 s6, $0x8  }
0x9: {  	s7 =	sadd.s32 $0x80800, s7;
	[sflag:s5] =	ssyncpa.u1 $0x0;
	s8 =	sadd.s32 $0x100, s6  }
0xa: {  	vm0 =	vmmov $0xff;
	vm1 =	vcmask $0x3F20;
	[sflag:s9] =	ssyncpa.u1 $0x0;
	s9 =	simm.s32 $0x100;
	s11 =	smov.u32 s6  }
.LBB2_9:
0xb: {  	p0 =	seq.s32 s10, $0x2  }
.Ltmp1:
0xc: {  	_ = 	snop;
	(pc) =	sbr.rel @p0 .LBB2_11-.Ltmp1, $1  }
0xd: {  	_ =	sdelay $0x3  }
.LBB2_10:
0xe: {  	s12 =	sadd.s32 $0x100, s11  }
0xf: {  	s13 =	smov.u32 s6;
	p0 =	slt.s32 s12, s8  }
0x10: {  	s13 =	smov.u32 @p0 s12  }
0x11: {  	s10 =	sadd.s32 $0x1, s10;
	s12 =	smov.u32 s11;
	s11 =	smov.u32 s13  }
.LBB2_1:
0x12: {  	p0 =	sne.s32 s10, $0x0  }
.Ltmp2:
0x13: {  	_ = 	snop;
	(pc) =	sbr.rel @!p0 .LBB2_2-.Ltmp2, $1  }
0x14: {  	_ =	sdelay $0x3  }
0x15: {  	s13 =	sand.u32 $0x1, s10  }
0x16: {  	p0 =	seq.s32 s13, $0x0  }
.Ltmp3:
0x17: {  	_ = 	snop;
	(pc) =	sbr.rel @p0 .LBB2_9-.Ltmp3, $1  }
0x18: {  	_ =	sdelay $0x3  }
0x19: {  	_ =	swait.ge [sflag:s5], $0x100  }
0x1a: {  	[sflag:s5] =	ssyncset.done $0x0  }
0x1b: {  	s13 =	simm.s32 $0x0;
	[sflag:s5] =	ssyncadd.s32 $0xFFFFFF00  }
0x1c: {  	v0 =	vld.msk [tilespmem:s13+$0x100 ss:$0x1], $0xffff;
	_ =	sdelay $0x4  }
0x1d: {  	vm2 =	vgt.s32 v0, $0x0  }
0x1e: {  	v0 =	vnsel vm2, $0x0, v0  }
0x1f: {  	v0 =	vmin.u32 v0, $0x2000  }
0x20: {  	v0 =	vshll.u32 v0, $0x4;
	_ =	sdelay $0x3  }
0x21: {  	s13 =	simm.s32 $0x8200  }
0x22: {  	[tilespmem:s13], [sflag:$0x1] =	stream.indirect_vreg.gather [hbm:s3], $0x80, v0, vm0, $0x38;
	[tilespmem:$0x10200] =	vst v63  }
0x23: {  	s14 =	simm.s32 $0x8600;
	s31 =	simm.s32 $0x10  }
0x24: {  	[tilespmem:s14], [sflag:$0x1] =	stream.indirect_vreg.gather [hbm:s3], $0x80, v0, vm1, $0x38;
	[tilespmem:$0x10200] =	vst v63  }
0x25: {  	s14 =	simm.s32 $0x80;
	v0 =	vld.msk [tilespmem:s31+$0x100 ss:$0x1], $0xffff  }
.LBB2_5:
0x26: {  	p0 =	sne.s32 s14, $0x3C0;
	_ =	sdelay $0x4  }
0x27: {  	vm2 =	vgt.s32 v0, $0x0  }
0x28: {  	v0 =	vnsel vm2, $0x0, v0  }
0x29: {  	v0 =	vmin.u32 v0, $0x2000  }
0x2a: {  	v0 =	vshll.u32 v0, $0x4;
	_ =	sdelay $0x3  }
.Ltmp4:
0x2b: {  	s13 =	sadd.s32 $0x800, s13;
	(pc) =	sbr.rel @p0 .LBB2_5-.Ltmp4, $4  }
0x2c: {  	[tilespmem:s13], [sflag:$0x1] =	stream.indirect_vreg.gather [hbm:s3], $0x80, v0, vm0, $0x38;
	[tilespmem:$0x10200] =	vst v63  }
0x2d: {  	s15 =	sshra.s32 s14, $0x2;
	s16 =	sadd.s32 $0x400, s13  }
0x2e: {  	[tilespmem:s16], [sflag:$0x1] =	stream.indirect_vreg.gather [hbm:s3], $0x80, v0, vm1, $0x38;
	[tilespmem:$0x10200] =	vst v63  }
0x2f: {  	s14 =	sadd.s32 $0x40, s14;
	v0 =	vld.msk [tilespmem:s15+$0x100 ss:$0x1], $0xffff  }
0x30: {  	_ =	sdelay $0x3  }
0x31: {  	vm2 =	vgt.s32 v0, $0x0  }
0x32: {  	v0 =	vnsel vm2, $0x0, v0  }
0x33: {  	v0 =	vmin.u32 v0, $0x2000  }
0x34: {  	v0 =	vshll.u32 v0, $0x4;
	_ =	sdelay $0x3  }
0x35: {  	s13 =	sadd.s32 $0x800, s13  }
0x36: {  	[tilespmem:s13], [sflag:$0x1] =	stream.indirect_vreg.gather [hbm:s3], $0x80, v0, vm0, $0x38;
	[tilespmem:$0x10200] =	vst v63  }
0x37: {  	s13 =	sadd.s32 $0x400, s13  }
0x38: {  	[tilespmem:s13], [sflag:$0x1] =	stream.indirect_vreg.gather [hbm:s3], $0x80, v0, vm1, $0x38;
	[tilespmem:$0x10200] =	vst v63  }
0x39: {  	s12 =	sshll.u32 s12, $0x4;
	s14 =	simm.s32 $0x80;
	_ =	swait.ge [sflag:s4], $0x8000  }
0x3a: {  	s15 =	simm.s32 $0x8600;
	s12 =	sadd.s32 s12, s7;
	[sflag:s4] =	ssyncset.done $0x0  }
0x3b: {  	s16 =	sadd.s32 $0x0, s12;
	s13 =	simm.s32 $0x8200;
	[sflag:s4] =	ssyncadd.s32 $0xFFFF8000  }
.LBB2_7:
0x3c: {  	[hbm:s16] =	stream.linear.scatter [tilespmem:s13], [sflag:$0x3], $0x400, $0x38;
	[tilespmem:$0x10200] =	vst v63  }
0x3d: {  	s16 =	smov.u32 s14;
	s13 =	smov.u32 s15;
	p0 =	sne.s32 s14, $0xF80  }
.Ltmp5:
0x3e: {  	s14 =	sadd.s32 $0x80, s14;
	(pc) =	sbr.rel @p0 .LBB2_7-.Ltmp5, $2  }
0x3f: {  	_ =	sdelay $0x2  }
0x40: {  	s15 =	sadd.s32 $0x400, s15;
	s16 =	sadd.s32 s16, s12  }
.Ltmp6:
0x41: {  	(pc) =	sbr.rel .LBB2_9-.Ltmp6, $2  }
0x42: {  	_ =	sdelay $0x2  }
0x43: {  	[hbm:s16] =	stream.linear.scatter [tilespmem:s13], [sflag:$0x3], $0x400, $0x38;
	[tilespmem:$0x10200] =	vst v63  }
.LBB2_2:
.Ltmp7:
0x44: {  	(pc) =	sbr.rel .LBB2_10-.Ltmp7, $4  }
0x45: {  	_ = 	snop  }
0x46: {  	s12 =	sshrl.u32 s11, $0x3  }
0x47: {  	s13 =	sand.u32 $0x7, s11;
	s12 =	sadd.s32 s2, s12  }
0x48: {  	[tilespmem:s9], [sflag:$0x2] =	stream.linear.gather [hbm4b:s12+s13], $0x100, $0x38;
	[tilespmem:$0x10200] =	vst v63  }
.LBB2_11:
0x49: {  	s2 =	simm.s32 $0x3  }
0x4a: {  	_ =	swait.ge [sflag:s2], $0x8000  }
0x4b: {  	[sflag:s2] =	ssyncset.done $0x0  }
0x4c: {  	[sflag:s2] =	ssyncadd.s32 $0xFFFF8000  }
0x4d: {  	_ =	sfence.sel $0x180000  }
0x4e: {  	s3 =	simm.s32 $0x2;
	[bflag:$0x0] =	sbarrier.arrive $0xFFFF  }
0x4f: {  	[sflag:s3] =	ssyncpa.u1 $0x1  }
0x50: {  	s31 =	simm.s32 $0x1;
	[sflag:s2] =	ssyncpa.u1 $0x1  }
0x51: {  	[sflag:s31] =	ssyncpa.u1 $0x1  }
0x52: {  	p0 =	sne.s32 s1, $0x0;
	_ =	strace $0x9000004A  }
0x53: {  	s0 =	sadd.s32 @!p0 $0x100000, s0;
	[bflag:$0x2] =	sbarrier.arrive $0xFFFF  }
0x54: {  	[sflag:s0] =	ssyncadd.tile.s32 @!p0 $0x1;
	_ =	shalt  }
.Lfunc_end2:
_tile_overlayer_lowered:
.L_overlay_start_2:
0x55: {  	(tag) =	ssettag $0x2  }
0x56: {  	s0 =	rddreg [dreg:$0x0];
	s2 =	stileid.u32  }
0x57: {  	s1 =	rddreg [dreg:$0x1];
	p0 =	sne.s32 s2, $0x0  }
0x58: {  	s3 =	rddreg [dreg:$0x2];
	[bflag:$0x3] =	sbarrier.arrive $0xFFFF;
	s2 =	simm.s32 @!p0 $0x1C01  }
0x59: {  	[timem:s3], [sflag:s2] =	dma.local @!p0 [hbm:s0], s1  }
0x5a: {  	s0 =	simm.s32 @!p0 $0x1  }
0x5b: {  	_ =	swait.ge @!p0 [sflag:s0], s1  }
0x5c: {  	s1 =	ssub.s32 @!p0 $0x0, s1;
	[sflag:s0] =	ssyncset.done @!p0 $0x0  }
0x5d: {  	[sflag:s0] =	ssyncadd.s32 @!p0 s1  }
0x5e: {  	[bflag:$0x3] =	sbarrier.arrive $0xFFFF  }
0x5f: {  	_ =	shalt  }

// kernel: gather_offload_async_start.2
scs
__scs_entry_jumppad:
0x0: {  	(pc) =	sbr.rel $0x88, $3  }
0x1: {  	(tag) =	ssettag $0x0;
	lr =	simm.s32 $0x1  }
0x2: {  	[smem:$0x3F9C] =	sst lr;
	_ =	strace $0xD0000000  }
0x3: {  	_ = 	snop  }
0x4: {  	_ = 	snop  }
0x5: {  	_ = 	snop  }
0x6: {  	_ = 	snop  }
0x7: {  	_ = 	snop  }
__scs_overlays_trampoline_lowered:
0x8: {  	[smem:$0x3FAB] =	sst s0  }
0x9: {  	[smem:$0x3FAC] =	sst s1  }
0xa: {  	[smem:$0x3FAD] =	sst s2  }
0xb: {  	[smem:$0x3FAE] =	sst s3  }
0xc: {  	[smem:$0x3FAF] =	sst s4  }
0xd: {  	[smem:$0x3FB0] =	sst s5  }
0xe: {  	[smem:$0x3FB1] =	sst s6  }
0xf: {  	[smem:$0x3FB2] =	sst s7  }
0x10: {  	[smem:$0x3FB3] =	sst s8  }
0x11: {  	[smem:$0x3FB4] =	sst s9;
	s0 =	simm.s32 @!p0 $0x0  }
0x12: {  	s1 =	sld [smem:$0x3F9A];
	s0 =	simm.s32 @p0 $0x1  }
0x13: {  	[smem:$0x3FB5] =	sst s0;
	s0 =	simm.s32 @!p1 $0x0  }
0x14: {  	s2 =	sld [smem:$0x3F99];
	s0 =	simm.s32 @p1 $0x1  }
0x15: {  	[smem:$0x3FB6] =	sst s0;
	s0 =	simm.s32 @!p2 $0x0  }
0x16: {  	s3 =	sld [smem:$0x3FDB];
	s0 =	simm.s32 @p2 $0x1  }
0x17: {  	s4 =	simm.s32 $0x1BF5;
	[smem:$0x3FB8] =	sst s0  }
0x18: {  	s0 =	sld [smem:$0x3F9B];
	_ =	swait.ge [sflag:s4], $0x0  }
0x19: {  	s7 =	sld [smem:$0x3F9C]  }
0x1a: {  	s8 =	sadd.s32 $0xFFFFE003, lr  }
0x1b: {  	s9 =	sadd.s32 $0xFFFFFEF7, lr;
	s5 =	simm.s32 $0xFFFFFFFF;
	p2 =	slt.u32 s8, $0xFFFFF086  }
0x1c: {  	p1 =	slt.u32 s9, $0xF7A;
	s5 =	simm.s32 @!p2 $0x0  }
0x1d: {  	s5 =	simm.s32 @p1 $0x1;
	p0 =	seq.s32 s7, s2  }
0x1e: {  	s7 =	smul.u32 @!p0 $0xF7A, s2;
	p2 =	seq.s32 @!p0 s5, $0x0  }
0x1f: {  	s9 =	smul.u32 $0xF7A, s1;
	s8 =	simm.s32 @!p0 $0x1BF5;
	p2 =	por !p2, p0  }
0x20: {  	[sflag:s8] =	ssyncset.s32 @!p0 $0xFFFFF086;
	s6 =	sadd.s32 @!p0 s3, s7;
	s7 =	simm.s32 @!p0 $0x108  }
0x21: {  	s3 =	sadd.s32 s3, s9;
	s6 =	sadd.s32 @!p0 $0x88, s6;
	s7 =	simm.s32 @p2 $0x1082  }
0x22: {  	[simem:s7], [sflag:s8] =	dma.local @!p0 [hbm:s6], $0xF7A  }
0x23: {  	s9 =	sor.u32 $0xD0000000, s2;
	s6 =	simm.s32 $0x108;
	_ =	swait.ge @!p0 [sflag:s8], $0x0  }
0x24: {  	s3 =	sadd.s32 $0x88, s3;
	s6 =	simm.s32 @!p1 $0x1082;
	[sflag:s4] =	ssyncset.s32 $0xFFFFF086  }
0x25: {  	[simem:s6], [sflag:s4] =	dma.local [hbm:s3], $0xF7A  }
0x26: {  	[smem:$0x3F9C] =	sst s1;
	(tag) =	ssettag s2;
	_ =	strace s9  }
0x27: {  	s1 =	sld [smem:$0x3FAC]  }
0x28: {  	s2 =	sld [smem:$0x3FAD]  }
0x29: {  	s4 =	sld [smem:$0x3FAF]  }
0x2a: {  	p0 =	seq.s32 s5, $0x0;
	s5 =	sld [smem:$0x3FB0]  }
0x2b: {  	s6 =	sld [smem:$0x3FB1]  }
0x2c: {  	s7 =	sld [smem:$0x3FB2]  }
0x2d: {  	s3 =	simm.s32 $0x108;
	s8 =	sld [smem:$0x3FB3]  }
0x2e: {  	s3 =	simm.s32 @!p0 $0x1082;
	s9 =	sld [smem:$0x3FB4]  }
0x2f: {  	lr =	sadd.s32 s0, s3;
	s0 =	sld [smem:$0x3FAB]  }
0x30: {  	s3 =	sld [smem:$0x3FAE]  }
0x31: {  	[smem:$0x3FB7] =	sst s10  }
0x32: {  	s10 =	sld [smem:$0x3FB5];
	_ =	sdelay $0x3  }
0x33: {  	p0 =	seq.s32 s10, $0x1;
	s10 =	sld [smem:$0x3FB7];
	_ =	sdelay $0x3  }
0x34: {  	[smem:$0x3FB7] =	sst s10  }
0x35: {  	s10 =	sld [smem:$0x3FB6];
	_ =	sdelay $0x3  }
0x36: {  	p1 =	seq.s32 s10, $0x1;
	s10 =	sld [smem:$0x3FB7];
	_ =	sdelay $0x3  }
0x37: {  	[smem:$0x3FB7] =	sst s10  }
0x38: {  	s10 =	sld [smem:$0x3FB8]  }
0x39: {  	_ = 	snop;
	(pc) =	sbr.ind lr, $3  }
0x3a: {  	_ = 	snop  }
0x3b: {  	_ = 	snop  }
0x3c: {  	p2 =	seq.s32 s10, $0x1;
	s10 =	sld [smem:$0x3FB7]  }
0x3d: {  	_ =	shalt  }
0x3e: {  	_ =	shalt  }
0x3f: {  	_ =	shalt  }
0x40: {  	_ =	shalt  }
0x41: {  	_ =	shalt  }
0x42: {  	_ =	shalt  }
0x43: {  	_ =	shalt  }
0x44: {  	_ =	shalt  }
0x45: {  	_ =	shalt  }
0x46: {  	_ =	shalt  }
0x47: {  	_ =	shalt  }
0x48: {  	_ =	shalt  }
0x49: {  	_ =	shalt  }
0x4a: {  	_ =	shalt  }
0x4b: {  	_ =	shalt  }
0x4c: {  	_ =	shalt  }
0x4d: {  	_ =	shalt  }
0x4e: {  	_ =	shalt  }
0x4f: {  	_ =	shalt  }
0x50: {  	_ =	shalt  }
0x51: {  	_ =	shalt  }
0x52: {  	_ =	shalt  }
0x53: {  	_ =	shalt  }
0x54: {  	_ =	shalt  }
0x55: {  	_ =	shalt  }
0x56: {  	_ =	shalt  }
0x57: {  	_ =	shalt  }
0x58: {  	_ =	shalt  }
0x59: {  	_ =	shalt  }
0x5a: {  	_ =	shalt  }
0x5b: {  	_ =	shalt  }
0x5c: {  	_ =	shalt  }
0x5d: {  	_ =	shalt  }
0x5e: {  	_ =	shalt  }
0x5f: {  	_ =	shalt  }
0x60: {  	_ =	shalt  }
0x61: {  	_ =	shalt  }
0x62: {  	_ =	shalt  }
0x63: {  	_ =	shalt  }
0x64: {  	_ =	shalt  }
0x65: {  	_ =	shalt  }
0x66: {  	_ =	shalt  }
0x67: {  	_ =	shalt  }
0x68: {  	_ =	shalt  }
0x69: {  	_ =	shalt  }
0x6a: {  	_ =	shalt  }
0x6b: {  	_ =	shalt  }
0x6c: {  	_ =	shalt  }
0x6d: {  	_ =	shalt  }
0x6e: {  	_ =	shalt  }
0x6f: {  	_ =	shalt  }
0x70: {  	_ =	shalt  }
0x71: {  	_ =	shalt  }
0x72: {  	_ =	shalt  }
0x73: {  	_ =	shalt  }
0x74: {  	_ =	shalt  }
0x75: {  	_ =	shalt  }
0x76: {  	_ =	shalt  }
0x77: {  	_ =	shalt  }
0x78: {  	_ =	shalt  }
0x79: {  	_ =	shalt  }
0x7a: {  	_ =	shalt  }
0x7b: {  	_ =	shalt  }
0x7c: {  	_ =	shalt  }
0x7d: {  	_ =	shalt  }
0x7e: {  	_ =	shalt  }
0x7f: {  	_ =	shalt  }
0x80: {  	_ =	shalt  }
0x81: {  	_ =	shalt  }
0x82: {  	_ =	shalt  }
0x83: {  	_ =	shalt  }
0x84: {  	_ =	shalt  }
0x85: {  	_ =	shalt  }
0x86: {  	_ =	shalt  }
0x87: {  	_ =	shalt  }
.Lfunc_end0:
.L_simem_size_0:
called_computation.2_lowered:
.L_overlay_start_0:
0x88: {  	s2 =	sld [smem:$0x3FD9]  }
0x89: {  	s3 =	sld [smem:$0x3FFE];
	_ =	sdelay $0x1  }
0x8a: {  	s1 =	srdreg.scid  }
0x8b: {  	s0 =	sand.u32 $0x1, s1  }
0x8c: {  	s14 =	sshll.u32 s0, $0xA;
	s2 =	sadd.s32 s3, s2  }
0x8d: {  	s2 =	sadd.s32 s2, s14  }
0x8e: {  	[smem:$0x3FC3] =	sst s2  }
0x8f: {  	_ = 	snop  }
0x90: {  	s2 =	sld [smem:$0x3FD0];
	_ =	sdelay $0x2  }
0x91: {  	s15 =	simm.s32 $0xA;
	s4 =	simm.s32 $0x10  }
0x92: {  	[smem:s4], [sflag:s15] =	dma.local [hbm:s2], $0x1  }
0x93: {  	_ =	swait.eq [sflag:s15], $0x1  }
0x94: {  	[sflag:s15] =	ssyncset.done $0x0  }
0x95: {  	[sflag:s15] =	ssyncadd.s32 $0xFFFFFFFF  }
0x96: {  	s16 =	sld [smem:$0x12];
	(tm) =	ssettm $0x1  }
0x97: {  	s17 =	sld [smem:$0x3FFB];
	_ =	sdelay $0x3  }
0x98: {  	_ =	strace s17  }
0x99: {  	s3 =	sld [smem:$0x3FFC];
	_ =	sdelay $0x3  }
0x9a: {  	_ =	strace s3  }
0x9b: {  	s3 =	sld [smem:$0x3FFD];
	_ =	sdelay $0x3  }
0x9c: {  	_ =	strace s3  }
0x9d: {  	_ =	strace $0x8FFFFFFF  }
0x9e: {  	s18 =	sld [smem:$0x3FDB];
	_ =	sdelay $0x1  }
0x9f: {  	s19 =	simm.s32 $_scs_section_size  }
0xa0: {  	s5 =	simm.s32 $_size__tile_overlayer_lowered;
	s6 =	simm.s32 $_tile_overlayer_lowered  }
0xa1: {  	s22 =	simm.s32 $0x1BFF;
	s21 =	sshll.u32 s6, $0x1;
	s3 =	sadd.s32 s19, s18  }
0xa2: {  	s7 =	simm.s32 $0x0;
	s20 =	sshll.u32 s5, $0x1;
	s5 =	sadd.s32 s21, s3  }
0xa3: {  	[timem:s7], [sflag:s22] =	dma.local [hbm:s5], s20  }
0xa4: {  	_ =	swait.ge [sflag:s22], s20  }
0xa5: {  	s4 =	ssub.s32 $0x0, s20;
	[sflag:s22] =	ssyncset.done $0x0  }
0xa6: {  	[sflag:s22] =	ssyncadd.s32 s4;
	_ =	sdelay $0x1  }
0xa7: {  	s23 =	simm.s32 $0x1B8B  }
0xa8: {  	_ =	swait.ge [sflag:s23], $0x1  }
0xa9: {  	[sflag:s23] =	ssyncset.done $0x0  }
0xaa: {  	s25 =	simm.s32 $0x1B8E;
	s24 =	sld [smem:$0x3FFE];
	[sflag:s23] =	ssyncadd.s32 $0xFFFFFFFF  }
0xab: {  	s26 =	simm.s32 $execute0_lowered;
	[smem:$0x3FD2] =	sst s25  }
0xac: {  	s5 =	sshll.u32 s26, $0x1;
	_ =	strace $0x8000004C;
	[dreg:$0x1] =	wrdreg $0xFFFFFFFF  }
0xad: {  	s28 =	simm.s32 $_size_execute0_lowered;
	s3 =	sadd.s32 s3, s5;
	[dreg:$0x0] =	wrdreg $0x0  }
0xae: {  	s5 =	sshll.u32 s28, $0x1;
	[dreg:$0x2] =	wrdreg s3  }
0xaf: {  	[dreg:$0x3] =	wrdreg s5  }
0xb0: {  	[dreg:$0x4] =	wrdreg $0xC0  }
0xb1: {  	_ =	task [dreg:s7], $0x5FFFF  }
0xb2: {  	[dreg:$0x1] =	wrdreg $0xFFFFFFFF  }
0xb3: {  	[dreg:$0x0] =	wrdreg $0x60  }
0xb4: {  	[dreg:$0x2] =	wrdreg s24  }
0xb5: {  	[dreg:$0x3] =	wrdreg s16  }
0xb6: {  	[dreg:$0x4] =	wrdreg $0x9  }
0xb7: {  	_ =	task.clear_ibuf [dreg:s7], $0x5FFFF;
	_ =	strace $0x9000004C  }
0xb8: {  	s29 =	simm.s32 $0x9;
	_ =	strace $0x8000004E  }
0xb9: {  	_ =	swait.ge [sflag:s29], $0x1  }
0xba: {  	[sflag:s29] =	ssyncadd.s32 $0xFFFFFFFF  }
0xbb: {  	_ =	strace $0x9000004E  }
0xbc: {  	_ =	sfence  }
0xbd: {  	s30 =	sld [smem:$0x0];
	_ =	sdelay $0x2  }
0xbe: {  	s31 =	sshll.u32 s1, $0xD;
	s1 =	sshrl.u32 s1, $0x2  }
0xbf: {  	s3 =	sand.u32 $0x4000, s31;
	s1 =	sadd.s32 s1, s30  }
0xc0: {  	s0 =	sor.u32 s3, s0;
	s1 =	sshll.u32 s1, $0x11  }
0xc1: {  	s0 =	sor.u32 s1, s0  }
0xc2: {  	s0 =	sadd.s32 $0x8F2B, s0  }
0xc3: {  	[sflag:s0] =	ssyncadd.remote.s32 $0x1  }
0xc4: {  	_ =	sfence.sel $0xFFFF  }
0xc5: {  	[dreg:$0x0] =	wrdreg $0xFFFFFFFF;
	(pc) =	sbr.abs _section_cstart, $3  }
0xc6: {  	[dreg:$0x1] =	wrdreg $0xFFFFFFFF  }
0xc7: {  	_ =	task.clear_ibuf [dreg:s7], $0x2FFFF;
	_ =	strace $0x9FFFFFFF  }
0xc8: {  	(tm) =	ssettm $0x7FFFFFFF  }
0xc9: {  	_ =	shalt  }
tec
execute0_lowered:
.L_overlay_start_1:
0x0: {  	(tag) =	ssettag $0x1  }
0x1: {  	s7 =	rddreg [dreg:$0x0]  }
0x2: {  	s2 =	rddreg [dreg:$0x1]  }
0x3: {  	s0 =	rddreg [dreg:$0x2]  }
0x4: {  	s1 =	srdreg.scid;
	_ =	strace $0x8000004D;
	s4 =	simm.s32 $0x1  }
0x5: {  	s9 =	simm.s32 $0x3;
	s12 =	simm.s32 $0x0;
	s5 =	sshll.u32 s1, $0x4  }
.Ltmp0:
0x6: {  	s1 =	stileid.u32;
	s5 =	sand.u32 $0x10, s5;
	(pc) =	sbr.rel .LBB2_1-.Ltmp0, $4  }
0x7: {  	s10 =	simm.s32 $0x0;
	s3 =	sadd.s32 $0xA0800, s7;
	s6 =	sor.u32 s1, s5  }
0x8: {  	[sflag:s4] =	ssyncpa.u1 $0x0;
	s5 =	simm.s32 $0x2;
	s6 =	sshll.u32 s6, $0x8  }
0x9: {  	s7 =	sadd.s32 $0x60600, s7;
	[sflag:s5] =	ssyncpa.u1 $0x0;
	s8 =	sadd.s32 $0x100, s6  }
0xa: {  	vm0 =	vmmov $0xff;
	vm1 =	vcmask $0x3F20;
	[sflag:s9] =	ssyncpa.u1 $0x0;
	s9 =	simm.s32 $0x100;
	s11 =	smov.u32 s6  }
.LBB2_9:
0xb: {  	p0 =	seq.s32 s10, $0x2  }
.Ltmp1:
0xc: {  	_ = 	snop;
	(pc) =	sbr.rel @p0 .LBB2_11-.Ltmp1, $1  }
0xd: {  	_ =	sdelay $0x3  }
.LBB2_10:
0xe: {  	s12 =	sadd.s32 $0x100, s11  }
0xf: {  	s13 =	smov.u32 s6;
	p0 =	slt.s32 s12, s8  }
0x10: {  	s13 =	smov.u32 @p0 s12  }
0x11: {  	s10 =	sadd.s32 $0x1, s10;
	s12 =	smov.u32 s11;
	s11 =	smov.u32 s13  }
.LBB2_1:
0x12: {  	p0 =	sne.s32 s10, $0x0  }
.Ltmp2:
0x13: {  	_ = 	snop;
	(pc) =	sbr.rel @!p0 .LBB2_2-.Ltmp2, $1  }
0x14: {  	_ =	sdelay $0x3  }
0x15: {  	s13 =	sand.u32 $0x1, s10  }
0x16: {  	p0 =	seq.s32 s13, $0x0  }
.Ltmp3:
0x17: {  	_ = 	snop;
	(pc) =	sbr.rel @p0 .LBB2_9-.Ltmp3, $1  }
0x18: {  	_ =	sdelay $0x3  }
0x19: {  	_ =	swait.ge [sflag:s5], $0x100  }
0x1a: {  	[sflag:s5] =	ssyncset.done $0x0  }
0x1b: {  	s13 =	simm.s32 $0x0;
	[sflag:s5] =	ssyncadd.s32 $0xFFFFFF00  }
0x1c: {  	v0 =	vld.msk [tilespmem:s13+$0x100 ss:$0x1], $0xffff;
	_ =	sdelay $0x4  }
0x1d: {  	vm2 =	vgt.s32 v0, $0x0  }
0x1e: {  	v0 =	vnsel vm2, $0x0, v0  }
0x1f: {  	v0 =	vmin.u32 v0, $0x2000  }
0x20: {  	v0 =	vshll.u32 v0, $0x4;
	_ =	sdelay $0x3  }
0x21: {  	s13 =	simm.s32 $0x8200  }
0x22: {  	[tilespmem:s13], [sflag:$0x1] =	stream.indirect_vreg.gather [hbm:s3], $0x80, v0, vm0, $0x38;
	[tilespmem:$0x10200] =	vst v63  }
0x23: {  	s14 =	simm.s32 $0x8600;
	s31 =	simm.s32 $0x10  }
0x24: {  	[tilespmem:s14], [sflag:$0x1] =	stream.indirect_vreg.gather [hbm:s3], $0x80, v0, vm1, $0x38;
	[tilespmem:$0x10200] =	vst v63  }
0x25: {  	s14 =	simm.s32 $0x80;
	v0 =	vld.msk [tilespmem:s31+$0x100 ss:$0x1], $0xffff  }
.LBB2_5:
0x26: {  	p0 =	sne.s32 s14, $0x3C0;
	_ =	sdelay $0x4  }
0x27: {  	vm2 =	vgt.s32 v0, $0x0  }
0x28: {  	v0 =	vnsel vm2, $0x0, v0  }
0x29: {  	v0 =	vmin.u32 v0, $0x2000  }
0x2a: {  	v0 =	vshll.u32 v0, $0x4;
	_ =	sdelay $0x3  }
.Ltmp4:
0x2b: {  	s13 =	sadd.s32 $0x800, s13;
	(pc) =	sbr.rel @p0 .LBB2_5-.Ltmp4, $4  }
0x2c: {  	[tilespmem:s13], [sflag:$0x1] =	stream.indirect_vreg.gather [hbm:s3], $0x80, v0, vm0, $0x38;
	[tilespmem:$0x10200] =	vst v63  }
0x2d: {  	s15 =	sshra.s32 s14, $0x2;
	s16 =	sadd.s32 $0x400, s13  }
0x2e: {  	[tilespmem:s16], [sflag:$0x1] =	stream.indirect_vreg.gather [hbm:s3], $0x80, v0, vm1, $0x38;
	[tilespmem:$0x10200] =	vst v63  }
0x2f: {  	s14 =	sadd.s32 $0x40, s14;
	v0 =	vld.msk [tilespmem:s15+$0x100 ss:$0x1], $0xffff  }
0x30: {  	_ =	sdelay $0x3  }
0x31: {  	vm2 =	vgt.s32 v0, $0x0  }
0x32: {  	v0 =	vnsel vm2, $0x0, v0  }
0x33: {  	v0 =	vmin.u32 v0, $0x2000  }
0x34: {  	v0 =	vshll.u32 v0, $0x4;
	_ =	sdelay $0x3  }
0x35: {  	s13 =	sadd.s32 $0x800, s13  }
0x36: {  	[tilespmem:s13], [sflag:$0x1] =	stream.indirect_vreg.gather [hbm:s3], $0x80, v0, vm0, $0x38;
	[tilespmem:$0x10200] =	vst v63  }
0x37: {  	s13 =	sadd.s32 $0x400, s13  }
0x38: {  	[tilespmem:s13], [sflag:$0x1] =	stream.indirect_vreg.gather [hbm:s3], $0x80, v0, vm1, $0x38;
	[tilespmem:$0x10200] =	vst v63  }
0x39: {  	s12 =	sshll.u32 s12, $0x4;
	s14 =	simm.s32 $0x80;
	_ =	swait.ge [sflag:s4], $0x8000  }
0x3a: {  	s15 =	simm.s32 $0x8600;
	s12 =	sadd.s32 s12, s7;
	[sflag:s4] =	ssyncset.done $0x0  }
0x3b: {  	s16 =	sadd.s32 $0x0, s12;
	s13 =	simm.s32 $0x8200;
	[sflag:s4] =	ssyncadd.s32 $0xFFFF8000  }
.LBB2_7:
0x3c: {  	[hbm:s16] =	stream.linear.scatter [tilespmem:s13], [sflag:$0x3], $0x400, $0x38;
	[tilespmem:$0x10200] =	vst v63  }
0x3d: {  	s16 =	smov.u32 s14;
	s13 =	smov.u32 s15;
	p0 =	sne.s32 s14, $0xF80  }
.Ltmp5:
0x3e: {  	s14 =	sadd.s32 $0x80, s14;
	(pc) =	sbr.rel @p0 .LBB2_7-.Ltmp5, $2  }
0x3f: {  	_ =	sdelay $0x2  }
0x40: {  	s15 =	sadd.s32 $0x400, s15;
	s16 =	sadd.s32 s16, s12  }
.Ltmp6:
0x41: {  	(pc) =	sbr.rel .LBB2_9-.Ltmp6, $2  }
0x42: {  	_ =	sdelay $0x2  }
0x43: {  	[hbm:s16] =	stream.linear.scatter [tilespmem:s13], [sflag:$0x3], $0x400, $0x38;
	[tilespmem:$0x10200] =	vst v63  }
.LBB2_2:
.Ltmp7:
0x44: {  	(pc) =	sbr.rel .LBB2_10-.Ltmp7, $4  }
0x45: {  	_ = 	snop  }
0x46: {  	s12 =	sshrl.u32 s11, $0x3  }
0x47: {  	s13 =	sand.u32 $0x7, s11;
	s12 =	sadd.s32 s2, s12  }
0x48: {  	[tilespmem:s9], [sflag:$0x2] =	stream.linear.gather [hbm4b:s12+s13], $0x100, $0x38;
	[tilespmem:$0x10200] =	vst v63  }
.LBB2_11:
0x49: {  	s2 =	simm.s32 $0x3  }
0x4a: {  	_ =	swait.ge [sflag:s2], $0x8000  }
0x4b: {  	[sflag:s2] =	ssyncset.done $0x0  }
0x4c: {  	[sflag:s2] =	ssyncadd.s32 $0xFFFF8000  }
0x4d: {  	_ =	sfence.sel $0x180000  }
0x4e: {  	s3 =	simm.s32 $0x2;
	[bflag:$0x0] =	sbarrier.arrive $0xFFFF  }
0x4f: {  	[sflag:s3] =	ssyncpa.u1 $0x1  }
0x50: {  	s31 =	simm.s32 $0x1;
	[sflag:s2] =	ssyncpa.u1 $0x1  }
0x51: {  	[sflag:s31] =	ssyncpa.u1 $0x1  }
0x52: {  	p0 =	sne.s32 s1, $0x0;
	_ =	strace $0x9000004D  }
0x53: {  	s0 =	sadd.s32 @!p0 $0x100000, s0;
	[bflag:$0x2] =	sbarrier.arrive $0xFFFF  }
0x54: {  	[sflag:s0] =	ssyncadd.tile.s32 @!p0 $0x1;
	_ =	shalt  }
.Lfunc_end2:
_tile_overlayer_lowered:
.L_overlay_start_2:
0x55: {  	(tag) =	ssettag $0x2  }
0x56: {  	s0 =	rddreg [dreg:$0x0];
	s2 =	stileid.u32  }
0x57: {  	s1 =	rddreg [dreg:$0x1];
	p0 =	sne.s32 s2, $0x0  }
0x58: {  	s3 =	rddreg [dreg:$0x2];
	[bflag:$0x3] =	sbarrier.arrive $0xFFFF;
	s2 =	simm.s32 @!p0 $0x1C01  }
0x59: {  	[timem:s3], [sflag:s2] =	dma.local @!p0 [hbm:s0], s1  }
0x5a: {  	s0 =	simm.s32 @!p0 $0x1  }
0x5b: {  	_ =	swait.ge @!p0 [sflag:s0], s1  }
0x5c: {  	s1 =	ssub.s32 @!p0 $0x0, s1;
	[sflag:s0] =	ssyncset.done @!p0 $0x0  }
0x5d: {  	[sflag:s0] =	ssyncadd.s32 @!p0 s1  }
0x5e: {  	[bflag:$0x3] =	sbarrier.arrive $0xFFFF  }
0x5f: {  	_ =	shalt  }

// kernel: gather_offload_async_start.3
scs
__scs_entry_jumppad:
0x0: {  	(pc) =	sbr.rel $0x88, $3  }
0x1: {  	(tag) =	ssettag $0x0;
	lr =	simm.s32 $0x1  }
0x2: {  	[smem:$0x3F9C] =	sst lr;
	_ =	strace $0xD0000000  }
0x3: {  	_ = 	snop  }
0x4: {  	_ = 	snop  }
0x5: {  	_ = 	snop  }
0x6: {  	_ = 	snop  }
0x7: {  	_ = 	snop  }
__scs_overlays_trampoline_lowered:
0x8: {  	[smem:$0x3FAB] =	sst s0  }
0x9: {  	[smem:$0x3FAC] =	sst s1  }
0xa: {  	[smem:$0x3FAD] =	sst s2  }
0xb: {  	[smem:$0x3FAE] =	sst s3  }
0xc: {  	[smem:$0x3FAF] =	sst s4  }
0xd: {  	[smem:$0x3FB0] =	sst s5  }
0xe: {  	[smem:$0x3FB1] =	sst s6  }
0xf: {  	[smem:$0x3FB2] =	sst s7  }
0x10: {  	[smem:$0x3FB3] =	sst s8  }
0x11: {  	[smem:$0x3FB4] =	sst s9;
	s0 =	simm.s32 @!p0 $0x0  }
0x12: {  	s1 =	sld [smem:$0x3F9A];
	s0 =	simm.s32 @p0 $0x1  }
0x13: {  	[smem:$0x3FB5] =	sst s0;
	s0 =	simm.s32 @!p1 $0x0  }
0x14: {  	s2 =	sld [smem:$0x3F99];
	s0 =	simm.s32 @p1 $0x1  }
0x15: {  	[smem:$0x3FB6] =	sst s0;
	s0 =	simm.s32 @!p2 $0x0  }
0x16: {  	s3 =	sld [smem:$0x3FDB];
	s0 =	simm.s32 @p2 $0x1  }
0x17: {  	s4 =	simm.s32 $0x1BF5;
	[smem:$0x3FB8] =	sst s0  }
0x18: {  	s0 =	sld [smem:$0x3F9B];
	_ =	swait.ge [sflag:s4], $0x0  }
0x19: {  	s7 =	sld [smem:$0x3F9C]  }
0x1a: {  	s8 =	sadd.s32 $0xFFFFE003, lr  }
0x1b: {  	s9 =	sadd.s32 $0xFFFFFEF7, lr;
	s5 =	simm.s32 $0xFFFFFFFF;
	p2 =	slt.u32 s8, $0xFFFFF086  }
0x1c: {  	p1 =	slt.u32 s9, $0xF7A;
	s5 =	simm.s32 @!p2 $0x0  }
0x1d: {  	s5 =	simm.s32 @p1 $0x1;
	p0 =	seq.s32 s7, s2  }
0x1e: {  	s7 =	smul.u32 @!p0 $0xF7A, s2;
	p2 =	seq.s32 @!p0 s5, $0x0  }
0x1f: {  	s9 =	smul.u32 $0xF7A, s1;
	s8 =	simm.s32 @!p0 $0x1BF5;
	p2 =	por !p2, p0  }
0x20: {  	[sflag:s8] =	ssyncset.s32 @!p0 $0xFFFFF086;
	s6 =	sadd.s32 @!p0 s3, s7;
	s7 =	simm.s32 @!p0 $0x108  }
0x21: {  	s3 =	sadd.s32 s3, s9;
	s6 =	sadd.s32 @!p0 $0x88, s6;
	s7 =	simm.s32 @p2 $0x1082  }
0x22: {  	[simem:s7], [sflag:s8] =	dma.local @!p0 [hbm:s6], $0xF7A  }
0x23: {  	s9 =	sor.u32 $0xD0000000, s2;
	s6 =	simm.s32 $0x108;
	_ =	swait.ge @!p0 [sflag:s8], $0x0  }
0x24: {  	s3 =	sadd.s32 $0x88, s3;
	s6 =	simm.s32 @!p1 $0x1082;
	[sflag:s4] =	ssyncset.s32 $0xFFFFF086  }
0x25: {  	[simem:s6], [sflag:s4] =	dma.local [hbm:s3], $0xF7A  }
0x26: {  	[smem:$0x3F9C] =	sst s1;
	(tag) =	ssettag s2;
	_ =	strace s9  }
0x27: {  	s1 =	sld [smem:$0x3FAC]  }
0x28: {  	s2 =	sld [smem:$0x3FAD]  }
0x29: {  	s4 =	sld [smem:$0x3FAF]  }
0x2a: {  	p0 =	seq.s32 s5, $0x0;
	s5 =	sld [smem:$0x3FB0]  }
0x2b: {  	s6 =	sld [smem:$0x3FB1]  }
0x2c: {  	s7 =	sld [smem:$0x3FB2]  }
0x2d: {  	s3 =	simm.s32 $0x108;
	s8 =	sld [smem:$0x3FB3]  }
0x2e: {  	s3 =	simm.s32 @!p0 $0x1082;
	s9 =	sld [smem:$0x3FB4]  }
0x2f: {  	lr =	sadd.s32 s0, s3;
	s0 =	sld [smem:$0x3FAB]  }
0x30: {  	s3 =	sld [smem:$0x3FAE]  }
0x31: {  	[smem:$0x3FB7] =	sst s10  }
0x32: {  	s10 =	sld [smem:$0x3FB5];
	_ =	sdelay $0x3  }
0x33: {  	p0 =	seq.s32 s10, $0x1;
	s10 =	sld [smem:$0x3FB7];
	_ =	sdelay $0x3  }
0x34: {  	[smem:$0x3FB7] =	sst s10  }
0x35: {  	s10 =	sld [smem:$0x3FB6];
	_ =	sdelay $0x3  }
0x36: {  	p1 =	seq.s32 s10, $0x1;
	s10 =	sld [smem:$0x3FB7];
	_ =	sdelay $0x3  }
0x37: {  	[smem:$0x3FB7] =	sst s10  }
0x38: {  	s10 =	sld [smem:$0x3FB8]  }
0x39: {  	_ = 	snop;
	(pc) =	sbr.ind lr, $3  }
0x3a: {  	_ = 	snop  }
0x3b: {  	_ = 	snop  }
0x3c: {  	p2 =	seq.s32 s10, $0x1;
	s10 =	sld [smem:$0x3FB7]  }
0x3d: {  	_ =	shalt  }
0x3e: {  	_ =	shalt  }
0x3f: {  	_ =	shalt  }
0x40: {  	_ =	shalt  }
0x41: {  	_ =	shalt  }
0x42: {  	_ =	shalt  }
0x43: {  	_ =	shalt  }
0x44: {  	_ =	shalt  }
0x45: {  	_ =	shalt  }
0x46: {  	_ =	shalt  }
0x47: {  	_ =	shalt  }
0x48: {  	_ =	shalt  }
0x49: {  	_ =	shalt  }
0x4a: {  	_ =	shalt  }
0x4b: {  	_ =	shalt  }
0x4c: {  	_ =	shalt  }
0x4d: {  	_ =	shalt  }
0x4e: {  	_ =	shalt  }
0x4f: {  	_ =	shalt  }
0x50: {  	_ =	shalt  }
0x51: {  	_ =	shalt  }
0x52: {  	_ =	shalt  }
0x53: {  	_ =	shalt  }
0x54: {  	_ =	shalt  }
0x55: {  	_ =	shalt  }
0x56: {  	_ =	shalt  }
0x57: {  	_ =	shalt  }
0x58: {  	_ =	shalt  }
0x59: {  	_ =	shalt  }
0x5a: {  	_ =	shalt  }
0x5b: {  	_ =	shalt  }
0x5c: {  	_ =	shalt  }
0x5d: {  	_ =	shalt  }
0x5e: {  	_ =	shalt  }
0x5f: {  	_ =	shalt  }
0x60: {  	_ =	shalt  }
0x61: {  	_ =	shalt  }
0x62: {  	_ =	shalt  }
0x63: {  	_ =	shalt  }
0x64: {  	_ =	shalt  }
0x65: {  	_ =	shalt  }
0x66: {  	_ =	shalt  }
0x67: {  	_ =	shalt  }
0x68: {  	_ =	shalt  }
0x69: {  	_ =	shalt  }
0x6a: {  	_ =	shalt  }
0x6b: {  	_ =	shalt  }
0x6c: {  	_ =	shalt  }
0x6d: {  	_ =	shalt  }
0x6e: {  	_ =	shalt  }
0x6f: {  	_ =	shalt  }
0x70: {  	_ =	shalt  }
0x71: {  	_ =	shalt  }
0x72: {  	_ =	shalt  }
0x73: {  	_ =	shalt  }
0x74: {  	_ =	shalt  }
0x75: {  	_ =	shalt  }
0x76: {  	_ =	shalt  }
0x77: {  	_ =	shalt  }
0x78: {  	_ =	shalt  }
0x79: {  	_ =	shalt  }
0x7a: {  	_ =	shalt  }
0x7b: {  	_ =	shalt  }
0x7c: {  	_ =	shalt  }
0x7d: {  	_ =	shalt  }
0x7e: {  	_ =	shalt  }
0x7f: {  	_ =	shalt  }
0x80: {  	_ =	shalt  }
0x81: {  	_ =	shalt  }
0x82: {  	_ =	shalt  }
0x83: {  	_ =	shalt  }
0x84: {  	_ =	shalt  }
0x85: {  	_ =	shalt  }
0x86: {  	_ =	shalt  }
0x87: {  	_ =	shalt  }
.Lfunc_end0:
.L_simem_size_0:
called_computation.3_lowered:
.L_overlay_start_0:
0x88: {  	s2 =	sld [smem:$0x3FD9]  }
0x89: {  	s3 =	sld [smem:$0x3FFE];
	_ =	sdelay $0x1  }
0x8a: {  	s1 =	srdreg.scid  }
0x8b: {  	s0 =	sand.u32 $0x1, s1  }
0x8c: {  	s14 =	sshll.u32 s0, $0xA;
	s2 =	sadd.s32 s3, s2  }
0x8d: {  	s2 =	sadd.s32 s2, s14  }
0x8e: {  	[smem:$0x3FC3] =	sst s2  }
0x8f: {  	_ = 	snop  }
0x90: {  	s2 =	sld [smem:$0x3FD0];
	_ =	sdelay $0x2  }
0x91: {  	s15 =	simm.s32 $0xA;
	s4 =	simm.s32 $0x10  }
0x92: {  	[smem:s4], [sflag:s15] =	dma.local [hbm:s2], $0x1  }
0x93: {  	_ =	swait.eq [sflag:s15], $0x1  }
0x94: {  	[sflag:s15] =	ssyncset.done $0x0  }
0x95: {  	[sflag:s15] =	ssyncadd.s32 $0xFFFFFFFF  }
0x96: {  	s16 =	sld [smem:$0x10];
	(tm) =	ssettm $0x1  }
0x97: {  	s17 =	sld [smem:$0x3FFB];
	_ =	sdelay $0x3  }
0x98: {  	_ =	strace s17  }
0x99: {  	s3 =	sld [smem:$0x3FFC];
	_ =	sdelay $0x3  }
0x9a: {  	_ =	strace s3  }
0x9b: {  	s3 =	sld [smem:$0x3FFD];
	_ =	sdelay $0x3  }
0x9c: {  	_ =	strace s3  }
0x9d: {  	_ =	strace $0x8FFFFFFF  }
0x9e: {  	s18 =	sld [smem:$0x3FDB];
	_ =	sdelay $0x1  }
0x9f: {  	s19 =	simm.s32 $_scs_section_size  }
0xa0: {  	s5 =	simm.s32 $_size__tile_overlayer_lowered;
	s6 =	simm.s32 $_tile_overlayer_lowered  }
0xa1: {  	s22 =	simm.s32 $0x1BFF;
	s21 =	sshll.u32 s6, $0x1;
	s3 =	sadd.s32 s19, s18  }
0xa2: {  	s7 =	simm.s32 $0x0;
	s20 =	sshll.u32 s5, $0x1;
	s5 =	sadd.s32 s21, s3  }
0xa3: {  	[timem:s7], [sflag:s22] =	dma.local [hbm:s5], s20  }
0xa4: {  	_ =	swait.ge [sflag:s22], s20  }
0xa5: {  	s4 =	ssub.s32 $0x0, s20;
	[sflag:s22] =	ssyncset.done $0x0  }
0xa6: {  	[sflag:s22] =	ssyncadd.s32 s4;
	_ =	sdelay $0x1  }
0xa7: {  	s23 =	simm.s32 $0x1B8B  }
0xa8: {  	_ =	swait.ge [sflag:s23], $0x1  }
0xa9: {  	[sflag:s23] =	ssyncset.done $0x0  }
0xaa: {  	s25 =	simm.s32 $0x1B8E;
	s24 =	sld [smem:$0x3FFE];
	[sflag:s23] =	ssyncadd.s32 $0xFFFFFFFF  }
0xab: {  	s26 =	simm.s32 $execute0_lowered;
	[smem:$0x3FD2] =	sst s25  }
0xac: {  	s5 =	sshll.u32 s26, $0x1;
	_ =	strace $0x8000004F;
	[dreg:$0x1] =	wrdreg $0xFFFFFFFF  }
0xad: {  	s28 =	simm.s32 $_size_execute0_lowered;
	s3 =	sadd.s32 s3, s5;
	[dreg:$0x0] =	wrdreg $0x0  }
0xae: {  	s5 =	sshll.u32 s28, $0x1;
	[dreg:$0x2] =	wrdreg s3  }
0xaf: {  	[dreg:$0x3] =	wrdreg s5  }
0xb0: {  	[dreg:$0x4] =	wrdreg $0xC0  }
0xb1: {  	_ =	task [dreg:s7], $0x5FFFF  }
0xb2: {  	[dreg:$0x1] =	wrdreg $0xFFFFFFFF  }
0xb3: {  	[dreg:$0x0] =	wrdreg $0x60  }
0xb4: {  	[dreg:$0x2] =	wrdreg s24  }
0xb5: {  	[dreg:$0x3] =	wrdreg s16  }
0xb6: {  	[dreg:$0x4] =	wrdreg $0x9  }
0xb7: {  	_ =	task.clear_ibuf [dreg:s7], $0x5FFFF;
	_ =	strace $0x9000004F  }
0xb8: {  	s29 =	simm.s32 $0x9;
	_ =	strace $0x80000051  }
0xb9: {  	_ =	swait.ge [sflag:s29], $0x1  }
0xba: {  	[sflag:s29] =	ssyncadd.s32 $0xFFFFFFFF  }
0xbb: {  	_ =	strace $0x90000051  }
0xbc: {  	_ =	sfence  }
0xbd: {  	s30 =	sld [smem:$0x0];
	_ =	sdelay $0x2  }
0xbe: {  	s31 =	sshll.u32 s1, $0xD;
	s1 =	sshrl.u32 s1, $0x2  }
0xbf: {  	s3 =	sand.u32 $0x4000, s31;
	s1 =	sadd.s32 s1, s30  }
0xc0: {  	s0 =	sor.u32 s3, s0;
	s1 =	sshll.u32 s1, $0x11  }
0xc1: {  	s0 =	sor.u32 s1, s0  }
0xc2: {  	s0 =	sadd.s32 $0x8F2B, s0  }
0xc3: {  	[sflag:s0] =	ssyncadd.remote.s32 $0x1  }
0xc4: {  	_ =	sfence.sel $0xFFFF  }
0xc5: {  	[dreg:$0x0] =	wrdreg $0xFFFFFFFF;
	(pc) =	sbr.abs _section_cstart, $3  }
0xc6: {  	[dreg:$0x1] =	wrdreg $0xFFFFFFFF  }
0xc7: {  	_ =	task.clear_ibuf [dreg:s7], $0x2FFFF;
	_ =	strace $0x9FFFFFFF  }
0xc8: {  	(tm) =	ssettm $0x7FFFFFFF  }
0xc9: {  	_ =	shalt  }
tec
execute0_lowered:
.L_overlay_start_1:
0x0: {  	(tag) =	ssettag $0x1  }
0x1: {  	s7 =	rddreg [dreg:$0x0]  }
0x2: {  	s2 =	rddreg [dreg:$0x1]  }
0x3: {  	s0 =	rddreg [dreg:$0x2]  }
0x4: {  	s1 =	srdreg.scid;
	_ =	strace $0x80000050;
	s4 =	simm.s32 $0x1  }
0x5: {  	s9 =	simm.s32 $0x3;
	s12 =	simm.s32 $0x0;
	s5 =	sshll.u32 s1, $0x4  }
.Ltmp0:
0x6: {  	s1 =	stileid.u32;
	s5 =	sand.u32 $0x10, s5;
	(pc) =	sbr.rel .LBB2_1-.Ltmp0, $4  }
0x7: {  	s10 =	simm.s32 $0x0;
	s3 =	sadd.s32 $0x80600, s7;
	s6 =	sor.u32 s1, s5  }
0x8: {  	[sflag:s4] =	ssyncpa.u1 $0x0;
	s5 =	simm.s32 $0x2;
	s6 =	sshll.u32 s6, $0x8  }
0x9: {  	s7 =	sadd.s32 $0xA0800, s7;
	[sflag:s5] =	ssyncpa.u1 $0x0;
	s8 =	sadd.s32 $0x100, s6  }
0xa: {  	vm0 =	vmmov $0xff;
	vm1 =	vcmask $0x3F20;
	[sflag:s9] =	ssyncpa.u1 $0x0;
	s9 =	simm.s32 $0x100;
	s11 =	smov.u32 s6  }
.LBB2_9:
0xb: {  	p0 =	seq.s32 s10, $0x2  }
.Ltmp1:
0xc: {  	_ = 	snop;
	(pc) =	sbr.rel @p0 .LBB2_11-.Ltmp1, $1  }
0xd: {  	_ =	sdelay $0x3  }
.LBB2_10:
0xe: {  	s12 =	sadd.s32 $0x100, s11  }
0xf: {  	s13 =	smov.u32 s6;
	p0 =	slt.s32 s12, s8  }
0x10: {  	s13 =	smov.u32 @p0 s12  }
0x11: {  	s10 =	sadd.s32 $0x1, s10;
	s12 =	smov.u32 s11;
	s11 =	smov.u32 s13  }
.LBB2_1:
0x12: {  	p0 =	sne.s32 s10, $0x0  }
.Ltmp2:
0x13: {  	_ = 	snop;
	(pc) =	sbr.rel @!p0 .LBB2_2-.Ltmp2, $1  }
0x14: {  	_ =	sdelay $0x3  }
0x15: {  	s13 =	sand.u32 $0x1, s10  }
0x16: {  	p0 =	seq.s32 s13, $0x0  }
.Ltmp3:
0x17: {  	_ = 	snop;
	(pc) =	sbr.rel @p0 .LBB2_9-.Ltmp3, $1  }
0x18: {  	_ =	sdelay $0x3  }
0x19: {  	_ =	swait.ge [sflag:s5], $0x100  }
0x1a: {  	[sflag:s5] =	ssyncset.done $0x0  }
0x1b: {  	s13 =	simm.s32 $0x0;
	[sflag:s5] =	ssyncadd.s32 $0xFFFFFF00  }
0x1c: {  	v0 =	vld.msk [tilespmem:s13+$0x100 ss:$0x1], $0xffff;
	_ =	sdelay $0x4  }
0x1d: {  	vm2 =	vgt.s32 v0, $0x0  }
0x1e: {  	v0 =	vnsel vm2, $0x0, v0  }
0x1f: {  	v0 =	vmin.u32 v0, $0x2000  }
0x20: {  	v0 =	vshll.u32 v0, $0x4;
	_ =	sdelay $0x3  }
0x21: {  	s13 =	simm.s32 $0x8200  }
0x22: {  	[tilespmem:s13], [sflag:$0x1] =	stream.indirect_vreg.gather [hbm:s3], $0x80, v0, vm0, $0x38;
	[tilespmem:$0x10200] =	vst v63  }
0x23: {  	s14 =	simm.s32 $0x8600;
	s31 =	simm.s32 $0x10  }
0x24: {  	[tilespmem:s14], [sflag:$0x1] =	stream.indirect_vreg.gather [hbm:s3], $0x80, v0, vm1, $0x38;
	[tilespmem:$0x10200] =	vst v63  }
0x25: {  	s14 =	simm.s32 $0x80;
	v0 =	vld.msk [tilespmem:s31+$0x100 ss:$0x1], $0xffff  }
.LBB2_5:
0x26: {  	p0 =	sne.s32 s14, $0x3C0;
	_ =	sdelay $0x4  }
0x27: {  	vm2 =	vgt.s32 v0, $0x0  }
0x28: {  	v0 =	vnsel vm2, $0x0, v0  }
0x29: {  	v0 =	vmin.u32 v0, $0x2000  }
0x2a: {  	v0 =	vshll.u32 v0, $0x4;
	_ =	sdelay $0x3  }
.Ltmp4:
0x2b: {  	s13 =	sadd.s32 $0x800, s13;
	(pc) =	sbr.rel @p0 .LBB2_5-.Ltmp4, $4  }
0x2c: {  	[tilespmem:s13], [sflag:$0x1] =	stream.indirect_vreg.gather [hbm:s3], $0x80, v0, vm0, $0x38;
	[tilespmem:$0x10200] =	vst v63  }
0x2d: {  	s15 =	sshra.s32 s14, $0x2;
	s16 =	sadd.s32 $0x400, s13  }
0x2e: {  	[tilespmem:s16], [sflag:$0x1] =	stream.indirect_vreg.gather [hbm:s3], $0x80, v0, vm1, $0x38;
	[tilespmem:$0x10200] =	vst v63  }
0x2f: {  	s14 =	sadd.s32 $0x40, s14;
	v0 =	vld.msk [tilespmem:s15+$0x100 ss:$0x1], $0xffff  }
0x30: {  	_ =	sdelay $0x3  }
0x31: {  	vm2 =	vgt.s32 v0, $0x0  }
0x32: {  	v0 =	vnsel vm2, $0x0, v0  }
0x33: {  	v0 =	vmin.u32 v0, $0x2000  }
0x34: {  	v0 =	vshll.u32 v0, $0x4;
	_ =	sdelay $0x3  }
0x35: {  	s13 =	sadd.s32 $0x800, s13  }
0x36: {  	[tilespmem:s13], [sflag:$0x1] =	stream.indirect_vreg.gather [hbm:s3], $0x80, v0, vm0, $0x38;
	[tilespmem:$0x10200] =	vst v63  }
0x37: {  	s13 =	sadd.s32 $0x400, s13  }
0x38: {  	[tilespmem:s13], [sflag:$0x1] =	stream.indirect_vreg.gather [hbm:s3], $0x80, v0, vm1, $0x38;
	[tilespmem:$0x10200] =	vst v63  }
0x39: {  	s12 =	sshll.u32 s12, $0x4;
	s14 =	simm.s32 $0x80;
	_ =	swait.ge [sflag:s4], $0x8000  }
0x3a: {  	s15 =	simm.s32 $0x8600;
	s12 =	sadd.s32 s12, s7;
	[sflag:s4] =	ssyncset.done $0x0  }
0x3b: {  	s16 =	sadd.s32 $0x0, s12;
	s13 =	simm.s32 $0x8200;
	[sflag:s4] =	ssyncadd.s32 $0xFFFF8000  }
.LBB2_7:
0x3c: {  	[hbm:s16] =	stream.linear.scatter [tilespmem:s13], [sflag:$0x3], $0x400, $0x38;
	[tilespmem:$0x10200] =	vst v63  }
0x3d: {  	s16 =	smov.u32 s14;
	s13 =	smov.u32 s15;
	p0 =	sne.s32 s14, $0xF80  }
.Ltmp5:
0x3e: {  	s14 =	sadd.s32 $0x80, s14;
	(pc) =	sbr.rel @p0 .LBB2_7-.Ltmp5, $2  }
0x3f: {  	_ =	sdelay $0x2  }
0x40: {  	s15 =	sadd.s32 $0x400, s15;
	s16 =	sadd.s32 s16, s12  }
.Ltmp6:
0x41: {  	(pc) =	sbr.rel .LBB2_9-.Ltmp6, $2  }
0x42: {  	_ =	sdelay $0x2  }
0x43: {  	[hbm:s16] =	stream.linear.scatter [tilespmem:s13], [sflag:$0x3], $0x400, $0x38;
	[tilespmem:$0x10200] =	vst v63  }
.LBB2_2:
.Ltmp7:
0x44: {  	(pc) =	sbr.rel .LBB2_10-.Ltmp7, $4  }
0x45: {  	_ = 	snop  }
0x46: {  	s12 =	sshrl.u32 s11, $0x3  }
0x47: {  	s13 =	sand.u32 $0x7, s11;
	s12 =	sadd.s32 s2, s12  }
0x48: {  	[tilespmem:s9], [sflag:$0x2] =	stream.linear.gather [hbm4b:s12+s13], $0x100, $0x38;
	[tilespmem:$0x10200] =	vst v63  }
.LBB2_11:
0x49: {  	s2 =	simm.s32 $0x3  }
0x4a: {  	_ =	swait.ge [sflag:s2], $0x8000  }
0x4b: {  	[sflag:s2] =	ssyncset.done $0x0  }
0x4c: {  	[sflag:s2] =	ssyncadd.s32 $0xFFFF8000  }
0x4d: {  	_ =	sfence.sel $0x180000  }
0x4e: {  	s3 =	simm.s32 $0x2;
	[bflag:$0x0] =	sbarrier.arrive $0xFFFF  }
0x4f: {  	[sflag:s3] =	ssyncpa.u1 $0x1  }
0x50: {  	s31 =	simm.s32 $0x1;
	[sflag:s2] =	ssyncpa.u1 $0x1  }
0x51: {  	[sflag:s31] =	ssyncpa.u1 $0x1  }
0x52: {  	p0 =	sne.s32 s1, $0x0;
	_ =	strace $0x90000050  }
0x53: {  	s0 =	sadd.s32 @!p0 $0x100000, s0;
	[bflag:$0x2] =	sbarrier.arrive $0xFFFF  }
0x54: {  	[sflag:s0] =	ssyncadd.tile.s32 @!p0 $0x1;
	_ =	shalt  }
.Lfunc_end2:
_tile_overlayer_lowered:
.L_overlay_start_2:
0x55: {  	(tag) =	ssettag $0x2  }
0x56: {  	s0 =	rddreg [dreg:$0x0];
	s2 =	stileid.u32  }
0x57: {  	s1 =	rddreg [dreg:$0x1];
	p0 =	sne.s32 s2, $0x0  }
0x58: {  	s3 =	rddreg [dreg:$0x2];
	[bflag:$0x3] =	sbarrier.arrive $0xFFFF;
	s2 =	simm.s32 @!p0 $0x1C01  }
0x59: {  	[timem:s3], [sflag:s2] =	dma.local @!p0 [hbm:s0], s1  }
0x5a: {  	s0 =	simm.s32 @!p0 $0x1  }
0x5b: {  	_ =	swait.ge @!p0 [sflag:s0], s1  }
0x5c: {  	s1 =	ssub.s32 @!p0 $0x0, s1;
	[sflag:s0] =	ssyncset.done @!p0 $0x0  }
0x5d: {  	[sflag:s0] =	ssyncadd.s32 @!p0 s1  }
0x5e: {  	[bflag:$0x3] =	sbarrier.arrive $0xFFFF  }
0x5f: {  	_ =	shalt  }

// kernel: gather_offload_async_start
scs
__scs_entry_jumppad:
0x0: {  	(pc) =	sbr.rel $0x88, $3  }
0x1: {  	(tag) =	ssettag $0x0;
	lr =	simm.s32 $0x1  }
0x2: {  	[smem:$0x3F9C] =	sst lr;
	_ =	strace $0xD0000000  }
0x3: {  	_ = 	snop  }
0x4: {  	_ = 	snop  }
0x5: {  	_ = 	snop  }
0x6: {  	_ = 	snop  }
0x7: {  	_ = 	snop  }
__scs_overlays_trampoline_lowered:
0x8: {  	[smem:$0x3FAB] =	sst s0  }
0x9: {  	[smem:$0x3FAC] =	sst s1  }
0xa: {  	[smem:$0x3FAD] =	sst s2  }
0xb: {  	[smem:$0x3FAE] =	sst s3  }
0xc: {  	[smem:$0x3FAF] =	sst s4  }
0xd: {  	[smem:$0x3FB0] =	sst s5  }
0xe: {  	[smem:$0x3FB1] =	sst s6  }
0xf: {  	[smem:$0x3FB2] =	sst s7  }
0x10: {  	[smem:$0x3FB3] =	sst s8  }
0x11: {  	[smem:$0x3FB4] =	sst s9;
	s0 =	simm.s32 @!p0 $0x0  }
0x12: {  	s1 =	sld [smem:$0x3F9A];
	s0 =	simm.s32 @p0 $0x1  }
0x13: {  	[smem:$0x3FB5] =	sst s0;
	s0 =	simm.s32 @!p1 $0x0  }
0x14: {  	s2 =	sld [smem:$0x3F99];
	s0 =	simm.s32 @p1 $0x1  }
0x15: {  	[smem:$0x3FB6] =	sst s0;
	s0 =	simm.s32 @!p2 $0x0  }
0x16: {  	s3 =	sld [smem:$0x3FDB];
	s0 =	simm.s32 @p2 $0x1  }
0x17: {  	s4 =	simm.s32 $0x1BF5;
	[smem:$0x3FB8] =	sst s0  }
0x18: {  	s0 =	sld [smem:$0x3F9B];
	_ =	swait.ge [sflag:s4], $0x0  }
0x19: {  	s7 =	sld [smem:$0x3F9C]  }
0x1a: {  	s8 =	sadd.s32 $0xFFFFE003, lr  }
0x1b: {  	s9 =	sadd.s32 $0xFFFFFEF7, lr;
	s5 =	simm.s32 $0xFFFFFFFF;
	p2 =	slt.u32 s8, $0xFFFFF086  }
0x1c: {  	p1 =	slt.u32 s9, $0xF7A;
	s5 =	simm.s32 @!p2 $0x0  }
0x1d: {  	s5 =	simm.s32 @p1 $0x1;
	p0 =	seq.s32 s7, s2  }
0x1e: {  	s7 =	smul.u32 @!p0 $0xF7A, s2;
	p2 =	seq.s32 @!p0 s5, $0x0  }
0x1f: {  	s9 =	smul.u32 $0xF7A, s1;
	s8 =	simm.s32 @!p0 $0x1BF5;
	p2 =	por !p2, p0  }
0x20: {  	[sflag:s8] =	ssyncset.s32 @!p0 $0xFFFFF086;
	s6 =	sadd.s32 @!p0 s3, s7;
	s7 =	simm.s32 @!p0 $0x108  }
0x21: {  	s3 =	sadd.s32 s3, s9;
	s6 =	sadd.s32 @!p0 $0x88, s6;
	s7 =	simm.s32 @p2 $0x1082  }
0x22: {  	[simem:s7], [sflag:s8] =	dma.local @!p0 [hbm:s6], $0xF7A  }
0x23: {  	s9 =	sor.u32 $0xD0000000, s2;
	s6 =	simm.s32 $0x108;
	_ =	swait.ge @!p0 [sflag:s8], $0x0  }
0x24: {  	s3 =	sadd.s32 $0x88, s3;
	s6 =	simm.s32 @!p1 $0x1082;
	[sflag:s4] =	ssyncset.s32 $0xFFFFF086  }
0x25: {  	[simem:s6], [sflag:s4] =	dma.local [hbm:s3], $0xF7A  }
0x26: {  	[smem:$0x3F9C] =	sst s1;
	(tag) =	ssettag s2;
	_ =	strace s9  }
0x27: {  	s1 =	sld [smem:$0x3FAC]  }
0x28: {  	s2 =	sld [smem:$0x3FAD]  }
0x29: {  	s4 =	sld [smem:$0x3FAF]  }
0x2a: {  	p0 =	seq.s32 s5, $0x0;
	s5 =	sld [smem:$0x3FB0]  }
0x2b: {  	s6 =	sld [smem:$0x3FB1]  }
0x2c: {  	s7 =	sld [smem:$0x3FB2]  }
0x2d: {  	s3 =	simm.s32 $0x108;
	s8 =	sld [smem:$0x3FB3]  }
0x2e: {  	s3 =	simm.s32 @!p0 $0x1082;
	s9 =	sld [smem:$0x3FB4]  }
0x2f: {  	lr =	sadd.s32 s0, s3;
	s0 =	sld [smem:$0x3FAB]  }
0x30: {  	s3 =	sld [smem:$0x3FAE]  }
0x31: {  	[smem:$0x3FB7] =	sst s10  }
0x32: {  	s10 =	sld [smem:$0x3FB5];
	_ =	sdelay $0x3  }
0x33: {  	p0 =	seq.s32 s10, $0x1;
	s10 =	sld [smem:$0x3FB7];
	_ =	sdelay $0x3  }
0x34: {  	[smem:$0x3FB7] =	sst s10  }
0x35: {  	s10 =	sld [smem:$0x3FB6];
	_ =	sdelay $0x3  }
0x36: {  	p1 =	seq.s32 s10, $0x1;
	s10 =	sld [smem:$0x3FB7];
	_ =	sdelay $0x3  }
0x37: {  	[smem:$0x3FB7] =	sst s10  }
0x38: {  	s10 =	sld [smem:$0x3FB8]  }
0x39: {  	_ = 	snop;
	(pc) =	sbr.ind lr, $3  }
0x3a: {  	_ = 	snop  }
0x3b: {  	_ = 	snop  }
0x3c: {  	p2 =	seq.s32 s10, $0x1;
	s10 =	sld [smem:$0x3FB7]  }
0x3d: {  	_ =	shalt  }
0x3e: {  	_ =	shalt  }
0x3f: {  	_ =	shalt  }
0x40: {  	_ =	shalt  }
0x41: {  	_ =	shalt  }
0x42: {  	_ =	shalt  }
0x43: {  	_ =	shalt  }
0x44: {  	_ =	shalt  }
0x45: {  	_ =	shalt  }
0x46: {  	_ =	shalt  }
0x47: {  	_ =	shalt  }
0x48: {  	_ =	shalt  }
0x49: {  	_ =	shalt  }
0x4a: {  	_ =	shalt  }
0x4b: {  	_ =	shalt  }
0x4c: {  	_ =	shalt  }
0x4d: {  	_ =	shalt  }
0x4e: {  	_ =	shalt  }
0x4f: {  	_ =	shalt  }
0x50: {  	_ =	shalt  }
0x51: {  	_ =	shalt  }
0x52: {  	_ =	shalt  }
0x53: {  	_ =	shalt  }
0x54: {  	_ =	shalt  }
0x55: {  	_ =	shalt  }
0x56: {  	_ =	shalt  }
0x57: {  	_ =	shalt  }
0x58: {  	_ =	shalt  }
0x59: {  	_ =	shalt  }
0x5a: {  	_ =	shalt  }
0x5b: {  	_ =	shalt  }
0x5c: {  	_ =	shalt  }
0x5d: {  	_ =	shalt  }
0x5e: {  	_ =	shalt  }
0x5f: {  	_ =	shalt  }
0x60: {  	_ =	shalt  }
0x61: {  	_ =	shalt  }
0x62: {  	_ =	shalt  }
0x63: {  	_ =	shalt  }
0x64: {  	_ =	shalt  }
0x65: {  	_ =	shalt  }
0x66: {  	_ =	shalt  }
0x67: {  	_ =	shalt  }
0x68: {  	_ =	shalt  }
0x69: {  	_ =	shalt  }
0x6a: {  	_ =	shalt  }
0x6b: {  	_ =	shalt  }
0x6c: {  	_ =	shalt  }
0x6d: {  	_ =	shalt  }
0x6e: {  	_ =	shalt  }
0x6f: {  	_ =	shalt  }
0x70: {  	_ =	shalt  }
0x71: {  	_ =	shalt  }
0x72: {  	_ =	shalt  }
0x73: {  	_ =	shalt  }
0x74: {  	_ =	shalt  }
0x75: {  	_ =	shalt  }
0x76: {  	_ =	shalt  }
0x77: {  	_ =	shalt  }
0x78: {  	_ =	shalt  }
0x79: {  	_ =	shalt  }
0x7a: {  	_ =	shalt  }
0x7b: {  	_ =	shalt  }
0x7c: {  	_ =	shalt  }
0x7d: {  	_ =	shalt  }
0x7e: {  	_ =	shalt  }
0x7f: {  	_ =	shalt  }
0x80: {  	_ =	shalt  }
0x81: {  	_ =	shalt  }
0x82: {  	_ =	shalt  }
0x83: {  	_ =	shalt  }
0x84: {  	_ =	shalt  }
0x85: {  	_ =	shalt  }
0x86: {  	_ =	shalt  }
0x87: {  	_ =	shalt  }
.Lfunc_end0:
.L_simem_size_0:
called_computation_lowered:
.L_overlay_start_0:
0x88: {  	s2 =	sld [smem:$0x3FD9]  }
0x89: {  	s3 =	sld [smem:$0x3FFE];
	_ =	sdelay $0x1  }
0x8a: {  	s1 =	srdreg.scid  }
0x8b: {  	s0 =	sand.u32 $0x1, s1  }
0x8c: {  	s14 =	sshll.u32 s0, $0xA;
	s2 =	sadd.s32 s3, s2  }
0x8d: {  	s2 =	sadd.s32 s2, s14  }
0x8e: {  	[smem:$0x3FC3] =	sst s2  }
0x8f: {  	_ = 	snop  }
0x90: {  	s2 =	sld [smem:$0x3FD0];
	_ =	sdelay $0x2  }
0x91: {  	s15 =	simm.s32 $0xA;
	s4 =	simm.s32 $0x10  }
0x92: {  	[smem:s4], [sflag:s15] =	dma.local [hbm:s2], $0x1  }
0x93: {  	_ =	swait.eq [sflag:s15], $0x1  }
0x94: {  	[sflag:s15] =	ssyncset.done $0x0  }
0x95: {  	[sflag:s15] =	ssyncadd.s32 $0xFFFFFFFF  }
0x96: {  	s16 =	sld [smem:$0x12];
	(tm) =	ssettm $0x1  }
0x97: {  	s17 =	sld [smem:$0x3FFB];
	_ =	sdelay $0x3  }
0x98: {  	_ =	strace s17  }
0x99: {  	s3 =	sld [smem:$0x3FFC];
	_ =	sdelay $0x3  }
0x9a: {  	_ =	strace s3  }
0x9b: {  	s3 =	sld [smem:$0x3FFD];
	_ =	sdelay $0x3  }
0x9c: {  	_ =	strace s3  }
0x9d: {  	_ =	strace $0x8FFFFFFF  }
0x9e: {  	s18 =	sld [smem:$0x3FDB];
	_ =	sdelay $0x1  }
0x9f: {  	s19 =	simm.s32 $_scs_section_size  }
0xa0: {  	s5 =	simm.s32 $_size__tile_overlayer_lowered;
	s6 =	simm.s32 $_tile_overlayer_lowered  }
0xa1: {  	s22 =	simm.s32 $0x1BFF;
	s21 =	sshll.u32 s6, $0x1;
	s3 =	sadd.s32 s19, s18  }
0xa2: {  	s7 =	simm.s32 $0x0;
	s20 =	sshll.u32 s5, $0x1;
	s5 =	sadd.s32 s21, s3  }
0xa3: {  	[timem:s7], [sflag:s22] =	dma.local [hbm:s5], s20  }
0xa4: {  	_ =	swait.ge [sflag:s22], s20  }
0xa5: {  	s4 =	ssub.s32 $0x0, s20;
	[sflag:s22] =	ssyncset.done $0x0  }
0xa6: {  	[sflag:s22] =	ssyncadd.s32 s4;
	_ =	sdelay $0x1  }
0xa7: {  	s23 =	simm.s32 $0x1B8B  }
0xa8: {  	_ =	swait.ge [sflag:s23], $0x1  }
0xa9: {  	[sflag:s23] =	ssyncset.done $0x0  }
0xaa: {  	s25 =	simm.s32 $0x1B8E;
	s24 =	sld [smem:$0x3FFE];
	[sflag:s23] =	ssyncadd.s32 $0xFFFFFFFF  }
0xab: {  	s26 =	simm.s32 $execute0_lowered;
	[smem:$0x3FD2] =	sst s25  }
0xac: {  	s5 =	sshll.u32 s26, $0x1;
	_ =	strace $0x80000046;
	[dreg:$0x1] =	wrdreg $0xFFFFFFFF  }
0xad: {  	s28 =	simm.s32 $_size_execute0_lowered;
	s3 =	sadd.s32 s3, s5;
	[dreg:$0x0] =	wrdreg $0x0  }
0xae: {  	s5 =	sshll.u32 s28, $0x1;
	[dreg:$0x2] =	wrdreg s3  }
0xaf: {  	[dreg:$0x3] =	wrdreg s5  }
0xb0: {  	[dreg:$0x4] =	wrdreg $0xC0  }
0xb1: {  	_ =	task [dreg:s7], $0x5FFFF  }
0xb2: {  	[dreg:$0x1] =	wrdreg $0xFFFFFFFF  }
0xb3: {  	[dreg:$0x0] =	wrdreg $0x60  }
0xb4: {  	[dreg:$0x2] =	wrdreg s24  }
0xb5: {  	[dreg:$0x3] =	wrdreg s16  }
0xb6: {  	[dreg:$0x4] =	wrdreg $0x9  }
0xb7: {  	_ =	task.clear_ibuf [dreg:s7], $0x5FFFF;
	_ =	strace $0x90000046  }
0xb8: {  	s29 =	simm.s32 $0x9;
	_ =	strace $0x80000048  }
0xb9: {  	_ =	swait.ge [sflag:s29], $0x1  }
0xba: {  	[sflag:s29] =	ssyncadd.s32 $0xFFFFFFFF  }
0xbb: {  	_ =	strace $0x90000048  }
0xbc: {  	_ =	sfence  }
0xbd: {  	s30 =	sld [smem:$0x0];
	_ =	sdelay $0x2  }
0xbe: {  	s31 =	sshll.u32 s1, $0xD;
	s1 =	sshrl.u32 s1, $0x2  }
0xbf: {  	s3 =	sand.u32 $0x4000, s31;
	s1 =	sadd.s32 s1, s30  }
0xc0: {  	s0 =	sor.u32 s3, s0;
	s1 =	sshll.u32 s1, $0x11  }
0xc1: {  	s0 =	sor.u32 s1, s0  }
0xc2: {  	s0 =	sadd.s32 $0x8F2B, s0  }
0xc3: {  	[sflag:s0] =	ssyncadd.remote.s32 $0x1  }
0xc4: {  	_ =	sfence.sel $0xFFFF  }
0xc5: {  	[dreg:$0x0] =	wrdreg $0xFFFFFFFF;
	(pc) =	sbr.abs _section_cstart, $3  }
0xc6: {  	[dreg:$0x1] =	wrdreg $0xFFFFFFFF  }
0xc7: {  	_ =	task.clear_ibuf [dreg:s7], $0x2FFFF;
	_ =	strace $0x9FFFFFFF  }
0xc8: {  	(tm) =	ssettm $0x7FFFFFFF  }
0xc9: {  	_ =	shalt  }
tec
execute0_lowered:
.L_overlay_start_1:
0x0: {  	(tag) =	ssettag $0x1  }
0x1: {  	s2 =	rddreg [dreg:$0x0]  }
0x2: {  	s3 =	rddreg [dreg:$0x1]  }
0x3: {  	s0 =	rddreg [dreg:$0x2];
	s1 =	srdreg.scid;
	_ =	strace $0x80000047  }
0x4: {  	s4 =	simm.s32 $0x1;
	s9 =	simm.s32 $0x3;
	s5 =	sshll.u32 s1, $0x4  }
.Ltmp0:
0x5: {  	s1 =	stileid.u32;
	s5 =	sand.u32 $0x10, s5;
	(pc) =	sbr.rel .LBB2_1-.Ltmp0, $4  }
0x6: {  	s12 =	simm.s32 $0x0;
	s10 =	simm.s32 $0x0;
	s6 =	sor.u32 s1, s5  }
0x7: {  	[sflag:s4] =	ssyncpa.u1 $0x0;
	s5 =	simm.s32 $0x2;
	s6 =	sshll.u32 s6, $0x8  }
0x8: {  	s7 =	sadd.s32 $0x20600, s2;
	[sflag:s5] =	ssyncpa.u1 $0x0;
	s8 =	sadd.s32 $0x100, s6  }
0x9: {  	vm0 =	vmmov $0xff;
	vm1 =	vcmask $0x3F20;
	[sflag:s9] =	ssyncpa.u1 $0x0;
	s9 =	simm.s32 $0x100;
	s11 =	smov.u32 s6  }
.LBB2_9:
0xa: {  	p0 =	seq.s32 s10, $0x2  }
.Ltmp1:
0xb: {  	_ = 	snop;
	(pc) =	sbr.rel @p0 .LBB2_11-.Ltmp1, $1  }
0xc: {  	_ =	sdelay $0x3  }
.LBB2_10:
0xd: {  	s12 =	sadd.s32 $0x100, s11  }
0xe: {  	s13 =	smov.u32 s6;
	p0 =	slt.s32 s12, s8  }
0xf: {  	s13 =	smov.u32 @p0 s12  }
0x10: {  	s10 =	sadd.s32 $0x1, s10;
	s12 =	smov.u32 s11;
	s11 =	smov.u32 s13  }
.LBB2_1:
0x11: {  	p0 =	sne.s32 s10, $0x0  }
.Ltmp2:
0x12: {  	_ = 	snop;
	(pc) =	sbr.rel @!p0 .LBB2_2-.Ltmp2, $1  }
0x13: {  	_ =	sdelay $0x3  }
0x14: {  	s13 =	sand.u32 $0x1, s10  }
0x15: {  	p0 =	seq.s32 s13, $0x0  }
.Ltmp3:
0x16: {  	_ = 	snop;
	(pc) =	sbr.rel @p0 .LBB2_9-.Ltmp3, $1  }
0x17: {  	_ =	sdelay $0x3  }
0x18: {  	_ =	swait.ge [sflag:s5], $0x100  }
0x19: {  	[sflag:s5] =	ssyncset.done $0x0  }
0x1a: {  	s13 =	simm.s32 $0x0;
	[sflag:s5] =	ssyncadd.s32 $0xFFFFFF00  }
0x1b: {  	v0 =	vld.msk [tilespmem:s13+$0x100 ss:$0x1], $0xffff;
	_ =	sdelay $0x4  }
0x1c: {  	vm2 =	vgt.s32 v0, $0x0  }
0x1d: {  	v0 =	vnsel vm2, $0x0, v0  }
0x1e: {  	v0 =	vmin.u32 v0, $0x2000  }
0x1f: {  	v0 =	vshll.u32 v0, $0x4;
	_ =	sdelay $0x3  }
0x20: {  	s13 =	simm.s32 $0x8200  }
0x21: {  	[tilespmem:s13], [sflag:$0x1] =	stream.indirect_vreg.gather [hbm:s2], $0x80, v0, vm0, $0x38;
	[tilespmem:$0x10200] =	vst v63  }
0x22: {  	s14 =	simm.s32 $0x8600;
	s31 =	simm.s32 $0x10  }
0x23: {  	[tilespmem:s14], [sflag:$0x1] =	stream.indirect_vreg.gather [hbm:s2], $0x80, v0, vm1, $0x38;
	[tilespmem:$0x10200] =	vst v63  }
0x24: {  	s14 =	simm.s32 $0x80;
	v0 =	vld.msk [tilespmem:s31+$0x100 ss:$0x1], $0xffff  }
.LBB2_5:
0x25: {  	p0 =	sne.s32 s14, $0x3C0;
	_ =	sdelay $0x4  }
0x26: {  	vm2 =	vgt.s32 v0, $0x0  }
0x27: {  	v0 =	vnsel vm2, $0x0, v0  }
0x28: {  	v0 =	vmin.u32 v0, $0x2000  }
0x29: {  	v0 =	vshll.u32 v0, $0x4;
	_ =	sdelay $0x3  }
.Ltmp4:
0x2a: {  	s13 =	sadd.s32 $0x800, s13;
	(pc) =	sbr.rel @p0 .LBB2_5-.Ltmp4, $4  }
0x2b: {  	[tilespmem:s13], [sflag:$0x1] =	stream.indirect_vreg.gather [hbm:s2], $0x80, v0, vm0, $0x38;
	[tilespmem:$0x10200] =	vst v63  }
0x2c: {  	s15 =	sshra.s32 s14, $0x2;
	s16 =	sadd.s32 $0x400, s13  }
0x2d: {  	[tilespmem:s16], [sflag:$0x1] =	stream.indirect_vreg.gather [hbm:s2], $0x80, v0, vm1, $0x38;
	[tilespmem:$0x10200] =	vst v63  }
0x2e: {  	s14 =	sadd.s32 $0x40, s14;
	v0 =	vld.msk [tilespmem:s15+$0x100 ss:$0x1], $0xffff  }
0x2f: {  	_ =	sdelay $0x3  }
0x30: {  	vm2 =	vgt.s32 v0, $0x0  }
0x31: {  	v0 =	vnsel vm2, $0x0, v0  }
0x32: {  	v0 =	vmin.u32 v0, $0x2000  }
0x33: {  	v0 =	vshll.u32 v0, $0x4;
	_ =	sdelay $0x3  }
0x34: {  	s13 =	sadd.s32 $0x800, s13  }
0x35: {  	[tilespmem:s13], [sflag:$0x1] =	stream.indirect_vreg.gather [hbm:s2], $0x80, v0, vm0, $0x38;
	[tilespmem:$0x10200] =	vst v63  }
0x36: {  	s13 =	sadd.s32 $0x400, s13  }
0x37: {  	[tilespmem:s13], [sflag:$0x1] =	stream.indirect_vreg.gather [hbm:s2], $0x80, v0, vm1, $0x38;
	[tilespmem:$0x10200] =	vst v63  }
0x38: {  	s12 =	sshll.u32 s12, $0x4;
	s14 =	simm.s32 $0x80;
	_ =	swait.ge [sflag:s4], $0x8000  }
0x39: {  	s15 =	simm.s32 $0x8600;
	s12 =	sadd.s32 s12, s7;
	[sflag:s4] =	ssyncset.done $0x0  }
0x3a: {  	s16 =	sadd.s32 $0x0, s12;
	s13 =	simm.s32 $0x8200;
	[sflag:s4] =	ssyncadd.s32 $0xFFFF8000  }
.LBB2_7:
0x3b: {  	[hbm:s16] =	stream.linear.scatter [tilespmem:s13], [sflag:$0x3], $0x400, $0x38;
	[tilespmem:$0x10200] =	vst v63  }
0x3c: {  	s16 =	smov.u32 s14;
	s13 =	smov.u32 s15;
	p0 =	sne.s32 s14, $0xF80  }
.Ltmp5:
0x3d: {  	s14 =	sadd.s32 $0x80, s14;
	(pc) =	sbr.rel @p0 .LBB2_7-.Ltmp5, $2  }
0x3e: {  	_ =	sdelay $0x2  }
0x3f: {  	s15 =	sadd.s32 $0x400, s15;
	s16 =	sadd.s32 s16, s12  }
.Ltmp6:
0x40: {  	(pc) =	sbr.rel .LBB2_9-.Ltmp6, $2  }
0x41: {  	_ =	sdelay $0x2  }
0x42: {  	[hbm:s16] =	stream.linear.scatter [tilespmem:s13], [sflag:$0x3], $0x400, $0x38;
	[tilespmem:$0x10200] =	vst v63  }
.LBB2_2:
.Ltmp7:
0x43: {  	(pc) =	sbr.rel .LBB2_10-.Ltmp7, $4  }
0x44: {  	_ = 	snop  }
0x45: {  	s12 =	sshrl.u32 s11, $0x3  }
0x46: {  	s13 =	sand.u32 $0x7, s11;
	s12 =	sadd.s32 s3, s12  }
0x47: {  	[tilespmem:s9], [sflag:$0x2] =	stream.linear.gather [hbm4b:s12+s13], $0x100, $0x38;
	[tilespmem:$0x10200] =	vst v63  }
.LBB2_11:
0x48: {  	s2 =	simm.s32 $0x3  }
0x49: {  	_ =	swait.ge [sflag:s2], $0x8000  }
0x4a: {  	[sflag:s2] =	ssyncset.done $0x0  }
0x4b: {  	[sflag:s2] =	ssyncadd.s32 $0xFFFF8000  }
0x4c: {  	_ =	sfence.sel $0x180000  }
0x4d: {  	s3 =	simm.s32 $0x2;
	[bflag:$0x0] =	sbarrier.arrive $0xFFFF  }
0x4e: {  	[sflag:s3] =	ssyncpa.u1 $0x1  }
0x4f: {  	s31 =	simm.s32 $0x1;
	[sflag:s2] =	ssyncpa.u1 $0x1  }
0x50: {  	[sflag:s31] =	ssyncpa.u1 $0x1  }
0x51: {  	p0 =	sne.s32 s1, $0x0;
	_ =	strace $0x90000047  }
0x52: {  	s0 =	sadd.s32 @!p0 $0x100000, s0;
	[bflag:$0x2] =	sbarrier.arrive $0xFFFF  }
0x53: {  	[sflag:s0] =	ssyncadd.tile.s32 @!p0 $0x1;
	_ =	shalt  }
.Lfunc_end2:
_tile_overlayer_lowered:
.L_overlay_start_2:
0x54: {  	(tag) =	ssettag $0x2  }
0x55: {  	s0 =	rddreg [dreg:$0x0];
	s2 =	stileid.u32  }
0x56: {  	s1 =	rddreg [dreg:$0x1];
	p0 =	sne.s32 s2, $0x0  }
0x57: {  	s3 =	rddreg [dreg:$0x2];
	[bflag:$0x3] =	sbarrier.arrive $0xFFFF;
	s2 =	simm.s32 @!p0 $0x1C01  }
0x58: {  	[timem:s3], [sflag:s2] =	dma.local @!p0 [hbm:s0], s1  }
0x59: {  	s0 =	simm.s32 @!p0 $0x1  }
0x5a: {  	_ =	swait.ge @!p0 [sflag:s0], s1  }
0x5b: {  	s1 =	ssub.s32 @!p0 $0x0, s1;
	[sflag:s0] =	ssyncset.done @!p0 $0x0  }
0x5c: {  	[sflag:s0] =	ssyncadd.s32 @!p0 s1  }
0x5d: {  	[bflag:$0x3] =	sbarrier.arrive $0xFFFF  }
0x5e: {  	_ =	shalt  }

</sc_bundles>
